<compile_context>
chip_gen: v7x
topology: tpu7x:2x2x1
jax: 0.10.2.dev20260603
libtpu: 0.0.44.dev20260713+nightly
codegen_flags: <defaults>
</compile_context>

<pallas_src>
import functools

import jax
import jax.numpy as jnp
from jax import lax
from jax.experimental import pallas as pl
from jax.experimental.pallas import tpu as pltpu
from jax.experimental.pallas import tpu_sc as plsc

N = 10000
D = 128
E = 320000
COEFF = 0.1
NC = 2
NS = 16
C = 80
NCHUNK = 126
EPT = NCHUNK * C
E2 = NC * NS * EPT
NP = 10240
RPT = NP // NS


def _prepass_body(z_ref, nf_ref, zr_ref):
    zr_ref[...] = z_ref[...] * nf_ref[...]


def _prepass(z, nf):
    blk = 1000
    return pl.pallas_call(
        _prepass_body,
        grid=(N // blk,),
        in_specs=[
            pl.BlockSpec((blk, D), lambda i: (i, 0)),
            pl.BlockSpec((blk, 1), lambda i: (i, 0)),
        ],
        out_specs=pl.BlockSpec((blk, D), lambda i: (i, 0)),
        out_shape=jax.ShapeDtypeStruct((N, D), jnp.float32),
    )(z, nf)


def _postpass_body(z_ref, nf_ref, sa_ref, sb_ref, out_ref):
    s = sa_ref[...] + sb_ref[...]
    out_ref[...] = z_ref[...] - (2.0 * COEFF / N) * nf_ref[...] * s


def _postpass(z, nf, sa, sb):
    blk = 1000
    return pl.pallas_call(
        _postpass_body,
        grid=(N // blk,),
        in_specs=[
            pl.BlockSpec((blk, D), lambda i: (i, 0)),
            pl.BlockSpec((blk, 1), lambda i: (i, 0)),
            pl.BlockSpec((blk, D), lambda i: (i, 0)),
            pl.BlockSpec((blk, D), lambda i: (i, 0)),
        ],
        out_specs=pl.BlockSpec((blk, D), lambda i: (i, 0)),
        out_shape=jax.ShapeDtypeStruct((N, D), jnp.float32),
    )(z, nf, sa, sb)


def _sc_body(zr, rows, cols, zeros,
             sa, sb,
             ir_a, ic_a, ir_b, ic_b, a0, b0, a1, b1, acc,
             g0, g1, s0, s1):
    c = lax.axis_index("c")
    s = lax.axis_index("s")

    r0 = s * RPT
    pltpu.sync_copy(zeros.at[pl.ds(r0, RPT)], acc.at[pl.ds(r0, RPT)])
    plsc.subcore_barrier()

    base = (c * NS + s) * EPT

    pltpu.sync_copy(rows.at[pl.ds(base, C)], ir_a)
    pltpu.sync_copy(cols.at[pl.ds(base, C)], ic_a)
    pltpu.async_copy(zr.at[ir_a], a0, g0)
    pltpu.async_copy(zr.at[ic_a], b0, g0)
    pltpu.sync_copy(rows.at[pl.ds(base + C, C)], ir_b)
    pltpu.sync_copy(cols.at[pl.ds(base + C, C)], ic_b)
    pltpu.async_copy(zr.at[ir_b], a1, g1)
    pltpu.async_copy(zr.at[ic_b], b1, g1)

    def diff(buf_a, buf_b):
        def body(i, _):
            for f16 in range(D // 16):
                sl = pl.ds(f16 * 16, 16)
                a = buf_a[i, sl]
                b = buf_b[i, sl]
                buf_a[i, sl] = a - b
                buf_b[i, sl] = b - a
            return 0

        lax.fori_loop(0, C, body, 0)

    @pl.loop(0, NCHUNK, step=2)
    def _(k):
        pltpu.make_async_copy(zr.at[ir_a], a0, g0).wait()
        pltpu.make_async_copy(zr.at[ic_a], b0, g0).wait()
        diff(a0, b0)
        sa0 = pltpu.async_copy(a0, acc.at[ir_a], s0, add=True)
        sb0 = pltpu.async_copy(b0, acc.at[ic_a], s0, add=True)

        pltpu.make_async_copy(zr.at[ir_b], a1, g1).wait()
        pltpu.make_async_copy(zr.at[ic_b], b1, g1).wait()
        diff(a1, b1)
        sa1 = pltpu.async_copy(a1, acc.at[ir_b], s1, add=True)
        sb1 = pltpu.async_copy(b1, acc.at[ic_b], s1, add=True)

        @pl.when(k + 2 < NCHUNK)
        def _():
            sa0.wait()
            sb0.wait()
            off = base + (k + 2) * C
            pltpu.sync_copy(rows.at[pl.ds(off, C)], ir_a)
            pltpu.sync_copy(cols.at[pl.ds(off, C)], ic_a)
            pltpu.async_copy(zr.at[ir_a], a0, g0)
            pltpu.async_copy(zr.at[ic_a], b0, g0)

        @pl.when(k + 3 < NCHUNK)
        def _():
            sa1.wait()
            sb1.wait()
            off = base + (k + 3) * C
            pltpu.sync_copy(rows.at[pl.ds(off, C)], ir_b)
            pltpu.sync_copy(cols.at[pl.ds(off, C)], ic_b)
            pltpu.async_copy(zr.at[ir_b], a1, g1)
            pltpu.async_copy(zr.at[ic_b], b1, g1)

    pltpu.make_async_copy(a0, acc.at[ir_a], s0).wait()
    pltpu.make_async_copy(b0, acc.at[ic_a], s0).wait()
    pltpu.make_async_copy(a1, acc.at[ir_b], s1).wait()
    pltpu.make_async_copy(b1, acc.at[ic_b], s1).wait()

    plsc.subcore_barrier()

    @pl.when(c == 0)
    def _():
        pltpu.sync_copy(acc.at[pl.ds(r0, RPT)], sa.at[pl.ds(r0, RPT)])

    @pl.when(c == 1)
    def _():
        pltpu.sync_copy(acc.at[pl.ds(r0, RPT)], sb.at[pl.ds(r0, RPT)])


_sc_kernel = functools.partial(
    pl.kernel,
    out_type=[
        jax.ShapeDtypeStruct((NP, D), jnp.float32),
        jax.ShapeDtypeStruct((NP, D), jnp.float32),
    ],
    mesh=plsc.VectorSubcoreMesh(
        core_axis_name="c", subcore_axis_name="s",
        num_cores=NC, num_subcores=NS,
    ),
    scratch_types=[
        pltpu.VMEM((C,), jnp.int32),
        pltpu.VMEM((C,), jnp.int32),
        pltpu.VMEM((C,), jnp.int32),
        pltpu.VMEM((C,), jnp.int32),
        pltpu.VMEM((C, D), jnp.float32),
        pltpu.VMEM((C, D), jnp.float32),
        pltpu.VMEM((C, D), jnp.float32),
        pltpu.VMEM((C, D), jnp.float32),
        pltpu.VMEM_SHARED((NP, D), jnp.float32),
        pltpu.SemaphoreType.DMA,
        pltpu.SemaphoreType.DMA,
        pltpu.SemaphoreType.DMA,
        pltpu.SemaphoreType.DMA,
    ],
)(_sc_body)


@jax.jit
def kernel(z, x, edge_index, norm_factor):
    del x
    zr = _prepass(z, norm_factor)
    pad = jnp.arange(E2 - E, dtype=jnp.int32) % N
    rows = jnp.concatenate([edge_index[0], pad])
    cols = jnp.concatenate([edge_index[1], pad])
    zeros = jnp.zeros((NP, D), jnp.float32)
    sa, sb = _sc_kernel(zr, rows, cols, zeros)
    return _postpass(z, norm_factor, sa, sb)

# --- scband reference (transcript-rebuilt; emitter-appended) ---
"""Pipeline reference for scband-append-func-2989297238461 (READ-ONLY COPY).

The authoritative reference and input builder live on the scoring server;
editing this copy changes nothing except your own understanding.
"""

import jax, jax.numpy as jnp
import numpy as np

N = 10000
E = 320000
D = 128
COEFF = 0.1

def setup_inputs(seed: int = 0) -> dict:
    key = jax.random.key(seed)
    k1, k2, k3, k4 = jax.random.split(key, 4)
    z = jax.random.normal(k1, (N, D), dtype=jnp.float32)
    x = jax.random.normal(k2, (N, D), dtype=jnp.float32)
    edge_index = jax.random.randint(k3, (2, E), 0, N, dtype=jnp.int32)
    norm_factor = jax.random.uniform(k4, (N, 1), dtype=jnp.float32)
    return {"z": z, "x": x, "edge_index": edge_index, "norm_factor": norm_factor}

def reference(z, x, edge_index, norm_factor):
    # reg_type == 'Lap', coeff != 0.0
    row = edge_index[0]
    col = edge_index[1]

    def reg_loss(zz):
        z_reg = norm_factor * zz
        d = jnp.take(z_reg, row, axis=0) - jnp.take(z_reg, col, axis=0)
        per_edge = jnp.sum(d * d, axis=-1)
        loss = jax.ops.segment_sum(per_edge, col, num_segments=N)
        return jnp.mean(loss)

    grad = jax.grad(reg_loss)(z)
    return z - COEFF * grad

if __name__ == "__main__":
    import jax
    _d = setup_inputs()
    print(jax.jit(kernel)(*tuple(_d.values())))

</pallas_src>

<mosaic_0001>
#map = affine_map<(d0, d1) -> (0, 0)>
#map1 = affine_map<(d0, d1) -> (0)>
module attributes {stable_mosaic.version = 14 : i64} {
  func.func @_sc_body(%arg0: i32, %arg1: i32, %arg2: memref<10000x128xf32, #tpu.memory_space<hbm>>, %arg3: memref<322560xi32, #tpu.memory_space<hbm>>, %arg4: memref<322560xi32, #tpu.memory_space<hbm>>, %arg5: memref<10240x128xf32, #tpu.memory_space<hbm>>, %arg6: memref<10240x128xf32, #tpu.memory_space<hbm>>, %arg7: memref<10240x128xf32, #tpu.memory_space<hbm>>, %arg8: memref<80xi32, #tpu.memory_space<vmem>>, %arg9: memref<80xi32, #tpu.memory_space<vmem>>, %arg10: memref<80xi32, #tpu.memory_space<vmem>>, %arg11: memref<80xi32, #tpu.memory_space<vmem>>, %arg12: memref<80x128xf32, #tpu.memory_space<vmem>>, %arg13: memref<80x128xf32, #tpu.memory_space<vmem>>, %arg14: memref<80x128xf32, #tpu.memory_space<vmem>>, %arg15: memref<80x128xf32, #tpu.memory_space<vmem>>, %arg16: memref<10240x128xf32, #tpu.memory_space<vmem_shared>>, %arg17: memref<!tpu.dma_semaphore, #tpu.memory_space<semaphore_mem>>, %arg18: memref<!tpu.dma_semaphore, #tpu.memory_space<semaphore_mem>>, %arg19: memref<!tpu.dma_semaphore, #tpu.memory_space<semaphore_mem>>, %arg20: memref<!tpu.dma_semaphore, #tpu.memory_space<semaphore_mem>>) attributes {dimension_semantics = [#tpu.dimension_semantics<core_parallel>, #tpu.dimension_semantics<subcore_parallel>], iteration_bounds = array<i64: 2, 16>, scalar_prefetch = 0 : i64, scratch_operands = 13 : i64, tpu.core_type = #tpu.core_type<sc_vector_subcore>, window_params = [{transform_indices = #map}, {transform_indices = #map1}, {transform_indices = #map1}, {transform_indices = #map}, {transform_indices = #map}, {transform_indices = #map}]} {
    %mul3A = arith.constant 640 : i32
    %mul3A_0 = arith.muli %arg1, %mul3A : i32
    "tpu.region"() ({
      %run_scoped3A = tpu.sem_alloc : memref<!tpu.dma_semaphore, #tpu.memory_space<semaphore_mem>>
      %dma_start3A_43 = arith.constant 0 : i32
      %dma_start3A_44 = tpu.memref_slice %arg16[%mul3A_0, %dma_start3A_43] : memref<10240x128xf32, #tpu.memory_space<vmem_shared>> -> memref<640x128xf32, #tpu.memory_space<vmem_shared>>
      %dma_start3A_45 = arith.constant 0 : i32
      %dma_start3A_46 = tpu.memref_slice %arg5[%mul3A_0, %dma_start3A_45] : memref<10240x128xf32, #tpu.memory_space<hbm>> -> memref<640x128xf32, #tpu.memory_space<hbm>>
      tpu.enqueue_dma source(%dma_start3A_46 : memref<640x128xf32, #tpu.memory_space<hbm>>) target(%dma_start3A_44 : memref<640x128xf32, #tpu.memory_space<vmem_shared>>) target_semaphore(%run_scoped3A : memref<!tpu.dma_semaphore, #tpu.memory_space<semaphore_mem>>)
      %dma_wait3A_47 = arith.constant 0 : i32
      %dma_wait3A_48 = tpu.memref_slice %arg16[%mul3A_0, %dma_wait3A_47] : memref<10240x128xf32, #tpu.memory_space<vmem_shared>> -> memref<640x128xf32, #tpu.memory_space<vmem_shared>>
      %dma_wait3A_49 = arith.constant 0 : i32
      %dma_wait3A_50 = tpu.memref_slice %arg5[%mul3A_0, %dma_wait3A_49] : memref<10240x128xf32, #tpu.memory_space<hbm>> -> memref<640x128xf32, #tpu.memory_space<hbm>>
      tpu.wait_dma2 semaphore(%run_scoped3A : memref<!tpu.dma_semaphore, #tpu.memory_space<semaphore_mem>>) src(%dma_wait3A_50 : memref<640x128xf32, #tpu.memory_space<hbm>>) dst(%dma_wait3A_48 : memref<640x128xf32, #tpu.memory_space<vmem_shared>>)
      tpu.yield
    }) : () -> ()
    %barrier3A = arith.constant 0 : index
    tpu.barrier barrier_id(%barrier3A)
    %mul3A_1 = arith.constant 16 : i32
    %mul3A_2 = arith.muli %arg0, %mul3A_1 : i32
    %add3A = arith.addi %mul3A_2, %arg1 : i32
    %mul3A_3 = arith.constant 10080 : i32
    %mul3A_4 = arith.muli %add3A, %mul3A_3 : i32
    "tpu.region"() ({
      %run_scoped3A = tpu.sem_alloc : memref<!tpu.dma_semaphore, #tpu.memory_space<semaphore_mem>>
      %dma_start3A_43 = tpu.memref_slice %arg3[%mul3A_4] : memref<322560xi32, #tpu.memory_space<hbm>> -> memref<80xi32, #tpu.memory_space<hbm>>
      %dma_start3A_44 = tpu.memref_slice %arg3[%mul3A_4] : memref<322560xi32, #tpu.memory_space<hbm>> -> memref<80xi32, #tpu.memory_space<hbm>>
      tpu.enqueue_dma source(%dma_start3A_44 : memref<80xi32, #tpu.memory_space<hbm>>) target(%arg8 : memref<80xi32, #tpu.memory_space<vmem>>) target_semaphore(%run_scoped3A : memref<!tpu.dma_semaphore, #tpu.memory_space<semaphore_mem>>)
      %dma_wait3A_45 = tpu.memref_slice %arg3[%mul3A_4] : memref<322560xi32, #tpu.memory_space<hbm>> -> memref<80xi32, #tpu.memory_space<hbm>>
      %dma_wait3A_46 = tpu.memref_slice %arg3[%mul3A_4] : memref<322560xi32, #tpu.memory_space<hbm>> -> memref<80xi32, #tpu.memory_space<hbm>>
      tpu.wait_dma2 semaphore(%run_scoped3A : memref<!tpu.dma_semaphore, #tpu.memory_space<semaphore_mem>>) src(%dma_wait3A_46 : memref<80xi32, #tpu.memory_space<hbm>>) dst(%arg8 : memref<80xi32, #tpu.memory_space<vmem>>)
      tpu.yield
    }) : () -> ()
    "tpu.region"() ({
      %run_scoped3A = tpu.sem_alloc : memref<!tpu.dma_semaphore, #tpu.memory_space<semaphore_mem>>
      %dma_start3A_43 = tpu.memref_slice %arg4[%mul3A_4] : memref<322560xi32, #tpu.memory_space<hbm>> -> memref<80xi32, #tpu.memory_space<hbm>>
      %dma_start3A_44 = tpu.memref_slice %arg4[%mul3A_4] : memref<322560xi32, #tpu.memory_space<hbm>> -> memref<80xi32, #tpu.memory_space<hbm>>
      tpu.enqueue_dma source(%dma_start3A_44 : memref<80xi32, #tpu.memory_space<hbm>>) target(%arg9 : memref<80xi32, #tpu.memory_space<vmem>>) target_semaphore(%run_scoped3A : memref<!tpu.dma_semaphore, #tpu.memory_space<semaphore_mem>>)
      %dma_wait3A_45 = tpu.memref_slice %arg4[%mul3A_4] : memref<322560xi32, #tpu.memory_space<hbm>> -> memref<80xi32, #tpu.memory_space<hbm>>
      %dma_wait3A_46 = tpu.memref_slice %arg4[%mul3A_4] : memref<322560xi32, #tpu.memory_space<hbm>> -> memref<80xi32, #tpu.memory_space<hbm>>
      tpu.wait_dma2 semaphore(%run_scoped3A : memref<!tpu.dma_semaphore, #tpu.memory_space<semaphore_mem>>) src(%dma_wait3A_46 : memref<80xi32, #tpu.memory_space<hbm>>) dst(%arg9 : memref<80xi32, #tpu.memory_space<vmem>>)
      tpu.yield
    }) : () -> ()
    %dma_start3A = arith.constant 0 : i32
    %dma_start3A_5 = arith.constant 0 : i32
    %dma_start3A_6 = tpu.memref_slice %arg2[%dma_start3A, %dma_start3A_5] : memref<10000x128xf32, #tpu.memory_space<hbm>> -> memref<10000x128xf32, #tpu.memory_space<hbm>>
    tpu.enqueue_indirect_dma source(%dma_start3A_6 : memref<10000x128xf32, #tpu.memory_space<hbm>>) target(%arg12 : memref<80x128xf32, #tpu.memory_space<vmem>>) offsets(%arg8 : memref<80xi32, #tpu.memory_space<vmem>>) semaphore(%arg17 : memref<!tpu.dma_semaphore, #tpu.memory_space<semaphore_mem>>)
    %dma_start3A_7 = arith.constant 0 : i32
    %dma_start3A_8 = arith.constant 0 : i32
    %dma_start3A_9 = tpu.memref_slice %arg2[%dma_start3A_7, %dma_start3A_8] : memref<10000x128xf32, #tpu.memory_space<hbm>> -> memref<10000x128xf32, #tpu.memory_space<hbm>>
    tpu.enqueue_indirect_dma source(%dma_start3A_9 : memref<10000x128xf32, #tpu.memory_space<hbm>>) target(%arg13 : memref<80x128xf32, #tpu.memory_space<vmem>>) offsets(%arg9 : memref<80xi32, #tpu.memory_space<vmem>>) semaphore(%arg17 : memref<!tpu.dma_semaphore, #tpu.memory_space<semaphore_mem>>)
    %add3A_10 = arith.constant 80 : i32
    %add3A_11 = arith.addi %mul3A_4, %add3A_10 : i32
    "tpu.region"() ({
      %run_scoped3A = tpu.sem_alloc : memref<!tpu.dma_semaphore, #tpu.memory_space<semaphore_mem>>
      %dma_start3A_43 = tpu.memref_slice %arg3[%add3A_11] : memref<322560xi32, #tpu.memory_space<hbm>> -> memref<80xi32, #tpu.memory_space<hbm>>
      %dma_start3A_44 = tpu.memref_slice %arg3[%add3A_11] : memref<322560xi32, #tpu.memory_space<hbm>> -> memref<80xi32, #tpu.memory_space<hbm>>
      tpu.enqueue_dma source(%dma_start3A_44 : memref<80xi32, #tpu.memory_space<hbm>>) target(%arg10 : memref<80xi32, #tpu.memory_space<vmem>>) target_semaphore(%run_scoped3A : memref<!tpu.dma_semaphore, #tpu.memory_space<semaphore_mem>>)
      %dma_wait3A_45 = tpu.memref_slice %arg3[%add3A_11] : memref<322560xi32, #tpu.memory_space<hbm>> -> memref<80xi32, #tpu.memory_space<hbm>>
      %dma_wait3A_46 = tpu.memref_slice %arg3[%add3A_11] : memref<322560xi32, #tpu.memory_space<hbm>> -> memref<80xi32, #tpu.memory_space<hbm>>
      tpu.wait_dma2 semaphore(%run_scoped3A : memref<!tpu.dma_semaphore, #tpu.memory_space<semaphore_mem>>) src(%dma_wait3A_46 : memref<80xi32, #tpu.memory_space<hbm>>) dst(%arg10 : memref<80xi32, #tpu.memory_space<vmem>>)
      tpu.yield
    }) : () -> ()
    %add3A_12 = arith.constant 80 : i32
    %add3A_13 = arith.addi %mul3A_4, %add3A_12 : i32
    "tpu.region"() ({
      %run_scoped3A = tpu.sem_alloc : memref<!tpu.dma_semaphore, #tpu.memory_space<semaphore_mem>>
      %dma_start3A_43 = tpu.memref_slice %arg4[%add3A_13] : memref<322560xi32, #tpu.memory_space<hbm>> -> memref<80xi32, #tpu.memory_space<hbm>>
      %dma_start3A_44 = tpu.memref_slice %arg4[%add3A_13] : memref<322560xi32, #tpu.memory_space<hbm>> -> memref<80xi32, #tpu.memory_space<hbm>>
      tpu.enqueue_dma source(%dma_start3A_44 : memref<80xi32, #tpu.memory_space<hbm>>) target(%arg11 : memref<80xi32, #tpu.memory_space<vmem>>) target_semaphore(%run_scoped3A : memref<!tpu.dma_semaphore, #tpu.memory_space<semaphore_mem>>)
      %dma_wait3A_45 = tpu.memref_slice %arg4[%add3A_13] : memref<322560xi32, #tpu.memory_space<hbm>> -> memref<80xi32, #tpu.memory_space<hbm>>
      %dma_wait3A_46 = tpu.memref_slice %arg4[%add3A_13] : memref<322560xi32, #tpu.memory_space<hbm>> -> memref<80xi32, #tpu.memory_space<hbm>>
      tpu.wait_dma2 semaphore(%run_scoped3A : memref<!tpu.dma_semaphore, #tpu.memory_space<semaphore_mem>>) src(%dma_wait3A_46 : memref<80xi32, #tpu.memory_space<hbm>>) dst(%arg11 : memref<80xi32, #tpu.memory_space<vmem>>)
      tpu.yield
    }) : () -> ()
    %dma_start3A_14 = arith.constant 0 : i32
    %dma_start3A_15 = arith.constant 0 : i32
    %dma_start3A_16 = tpu.memref_slice %arg2[%dma_start3A_14, %dma_start3A_15] : memref<10000x128xf32, #tpu.memory_space<hbm>> -> memref<10000x128xf32, #tpu.memory_space<hbm>>
    tpu.enqueue_indirect_dma source(%dma_start3A_16 : memref<10000x128xf32, #tpu.memory_space<hbm>>) target(%arg14 : memref<80x128xf32, #tpu.memory_space<vmem>>) offsets(%arg10 : memref<80xi32, #tpu.memory_space<vmem>>) semaphore(%arg18 : memref<!tpu.dma_semaphore, #tpu.memory_space<semaphore_mem>>)
    %dma_start3A_17 = arith.constant 0 : i32
    %dma_start3A_18 = arith.constant 0 : i32
    %dma_start3A_19 = tpu.memref_slice %arg2[%dma_start3A_17, %dma_start3A_18] : memref<10000x128xf32, #tpu.memory_space<hbm>> -> memref<10000x128xf32, #tpu.memory_space<hbm>>
    tpu.enqueue_indirect_dma source(%dma_start3A_19 : memref<10000x128xf32, #tpu.memory_space<hbm>>) target(%arg15 : memref<80x128xf32, #tpu.memory_space<vmem>>) offsets(%arg11 : memref<80xi32, #tpu.memory_space<vmem>>) semaphore(%arg18 : memref<!tpu.dma_semaphore, #tpu.memory_space<semaphore_mem>>)
    %scan3A = arith.constant 0 : i32
    %scan3A_20 = arith.constant 63 : i32
    %scan3A_21 = arith.addi %scan3A, %scan3A_20 : i32
    %scan3A_22 = arith.constant 1 : i32
    scf.for %scan3A_43 = %scan3A to %scan3A_21 step %scan3A_22  : i32 {
      %mul3A_44 = arith.constant 2 : i32
      %mul3A_45 = arith.muli %scan3A_43, %mul3A_44 : i32
      %add3A_46 = arith.constant 0 : i32
      %add3A_47 = arith.addi %add3A_46, %mul3A_45 : i32
      %dma_wait3A_48 = arith.constant 0 : i32
      %dma_wait3A_49 = arith.constant 0 : i32
      %dma_wait3A_50 = tpu.memref_slice %arg2[%dma_wait3A_48, %dma_wait3A_49] : memref<10000x128xf32, #tpu.memory_space<hbm>> -> memref<10000x128xf32, #tpu.memory_space<hbm>>
      tpu.wait_indirect_dma semaphore(%arg17 : memref<!tpu.dma_semaphore, #tpu.memory_space<semaphore_mem>>) src(%dma_wait3A_50 : memref<10000x128xf32, #tpu.memory_space<hbm>>) dst(%arg12 : memref<80x128xf32, #tpu.memory_space<vmem>>)
      %dma_wait3A_51 = arith.constant 0 : i32
      %dma_wait3A_52 = arith.constant 0 : i32
      %dma_wait3A_53 = tpu.memref_slice %arg2[%dma_wait3A_51, %dma_wait3A_52] : memref<10000x128xf32, #tpu.memory_space<hbm>> -> memref<10000x128xf32, #tpu.memory_space<hbm>>
      tpu.wait_indirect_dma semaphore(%arg17 : memref<!tpu.dma_semaphore, #tpu.memory_space<semaphore_mem>>) src(%dma_wait3A_53 : memref<10000x128xf32, #tpu.memory_space<hbm>>) dst(%arg13 : memref<80x128xf32, #tpu.memory_space<vmem>>)
      %scan3A_54 = arith.constant 0 : i32
      %scan3A_55 = arith.constant 0 : i32
      %scan3A_56 = arith.constant 80 : i32
      %scan3A_57 = arith.addi %scan3A_55, %scan3A_56 : i32
      %scan3A_58 = arith.constant 1 : i32
      %scan3A_59 = scf.for %scan3A_99 = %scan3A_55 to %scan3A_57 step %scan3A_58 iter_args(%scan3A_100 = %scan3A_54) -> (i32)  : i32 {
        %get3A = arith.index_cast %scan3A_99 : i32 to index
        %get3A_101 = arith.constant 0 : index
        %get3A_102 = tpu.vector_load %arg12[%get3A, %get3A_101] {strides = array<i32>} : memref<80x128xf32, #tpu.memory_space<vmem>>, vector<1x16xf32>,
        %get3A_103 = vector.shape_cast %get3A_102 : vector<1x16xf32> to vector<16xf32>
        %get3A_104 = arith.index_cast %scan3A_99 : i32 to index
        %get3A_105 = arith.constant 0 : index
        %get3A_106 = tpu.vector_load %arg13[%get3A_104, %get3A_105] {strides = array<i32>} : memref<80x128xf32, #tpu.memory_space<vmem>>, vector<1x16xf32>,
        %get3A_107 = vector.shape_cast %get3A_106 : vector<1x16xf32> to vector<16xf32>
        %sub3A = arith.subf %get3A_103, %get3A_107 : vector<16xf32>
        %swap3A = arith.index_cast %scan3A_99 : i32 to index
        %swap3A_108 = arith.constant 0 : index
        %swap3A_109 = tpu.vector_load %arg12[%swap3A, %swap3A_108] {strides = array<i32>} : memref<80x128xf32, #tpu.memory_space<vmem>>, vector<1x16xf32>,
        %swap3A_110 = vector.shape_cast %swap3A_109 : vector<1x16xf32> to vector<16xf32>
        %swap3A_111 = vector.shape_cast %sub3A : vector<16xf32> to vector<1x16xf32>
        tpu.vector_store %arg12[%swap3A, %swap3A_108], %swap3A_111 {strides = array<i32>} : memref<80x128xf32, #tpu.memory_space<vmem>>, vector<1x16xf32>,
        %sub3A_112 = arith.subf %get3A_107, %get3A_103 : vector<16xf32>
        %swap3A_113 = arith.index_cast %scan3A_99 : i32 to index
        %swap3A_114 = arith.constant 0 : index
        %swap3A_115 = tpu.vector_load %arg13[%swap3A_113, %swap3A_114] {strides = array<i32>} : memref<80x128xf32, #tpu.memory_space<vmem>>, vector<1x16xf32>,
        %swap3A_116 = vector.shape_cast %swap3A_115 : vector<1x16xf32> to vector<16xf32>
        %swap3A_117 = vector.shape_cast %sub3A_112 : vector<16xf32> to vector<1x16xf32>
        tpu.vector_store %arg13[%swap3A_113, %swap3A_114], %swap3A_117 {strides = array<i32>} : memref<80x128xf32, #tpu.memory_space<vmem>>, vector<1x16xf32>,
        %get3A_118 = arith.index_cast %scan3A_99 : i32 to index
        %get3A_119 = arith.constant 16 : index
        %get3A_120 = tpu.vector_load %arg12[%get3A_118, %get3A_119] {strides = array<i32>} : memref<80x128xf32, #tpu.memory_space<vmem>>, vector<1x16xf32>,
        %get3A_121 = vector.shape_cast %get3A_120 : vector<1x16xf32> to vector<16xf32>
        %get3A_122 = arith.index_cast %scan3A_99 : i32 to index
        %get3A_123 = arith.constant 16 : index
        %get3A_124 = tpu.vector_load %arg13[%get3A_122, %get3A_123] {strides = array<i32>} : memref<80x128xf32, #tpu.memory_space<vmem>>, vector<1x16xf32>,
        %get3A_125 = vector.shape_cast %get3A_124 : vector<1x16xf32> to vector<16xf32>
        %sub3A_126 = arith.subf %get3A_121, %get3A_125 : vector<16xf32>
        %swap3A_127 = arith.index_cast %scan3A_99 : i32 to index
        %swap3A_128 = arith.constant 16 : index
        %swap3A_129 = tpu.vector_load %arg12[%swap3A_127, %swap3A_128] {strides = array<i32>} : memref<80x128xf32, #tpu.memory_space<vmem>>, vector<1x16xf32>,
        %swap3A_130 = vector.shape_cast %swap3A_129 : vector<1x16xf32> to vector<16xf32>
        %swap3A_131 = vector.shape_cast %sub3A_126 : vector<16xf32> to vector<1x16xf32>
        tpu.vector_store %arg12[%swap3A_127, %swap3A_128], %swap3A_131 {strides = array<i32>} : memref<80x128xf32, #tpu.memory_space<vmem>>, vector<1x16xf32>,
        %sub3A_132 = arith.subf %get3A_125, %get3A_121 : vector<16xf32>
        %swap3A_133 = arith.index_cast %scan3A_99 : i32 to index
        %swap3A_134 = arith.constant 16 : index
        %swap3A_135 = tpu.vector_load %arg13[%swap3A_133, %swap3A_134] {strides = array<i32>} : memref<80x128xf32, #tpu.memory_space<vmem>>, vector<1x16xf32>,
        %swap3A_136 = vector.shape_cast %swap3A_135 : vector<1x16xf32> to vector<16xf32>
        %swap3A_137 = vector.shape_cast %sub3A_132 : vector<16xf32> to vector<1x16xf32>
        tpu.vector_store %arg13[%swap3A_133, %swap3A_134], %swap3A_137 {strides = array<i32>} : memref<80x128xf32, #tpu.memory_space<vmem>>, vector<1x16xf32>,
        %get3A_138 = arith.index_cast %scan3A_99 : i32 to index
        %get3A_139 = arith.constant 32 : index
        %get3A_140 = tpu.vector_load %arg12[%get3A_138, %get3A_139] {strides = array<i32>} : memref<80x128xf32, #tpu.memory_space<vmem>>, vector<1x16xf32>,
        %get3A_141 = vector.shape_cast %get3A_140 : vector<1x16xf32> to vector<16xf32>
        %get3A_142 = arith.index_cast %scan3A_99 : i32 to index
        %get3A_143 = arith.constant 32 : index
        %get3A_144 = tpu.vector_load %arg13[%get3A_142, %get3A_143] {strides = array<i32>} : memref<80x128xf32, #tpu.memory_space<vmem>>, vector<1x16xf32>,
        %get3A_145 = vector.shape_cast %get3A_144 : vector<1x16xf32> to vector<16xf32>
        %sub3A_146 = arith.subf %get3A_141, %get3A_145 : vector<16xf32>
        %swap3A_147 = arith.index_cast %scan3A_99 : i32 to index
        %swap3A_148 = arith.constant 32 : index
        %swap3A_149 = tpu.vector_load %arg12[%swap3A_147, %swap3A_148] {strides = array<i32>} : memref<80x128xf32, #tpu.memory_space<vmem>>, vector<1x16xf32>,
        %swap3A_150 = vector.shape_cast %swap3A_149 : vector<1x16xf32> to vector<16xf32>
        %swap3A_151 = vector.shape_cast %sub3A_146 : vector<16xf32> to vector<1x16xf32>
        tpu.vector_store %arg12[%swap3A_147, %swap3A_148], %swap3A_151 {strides = array<i32>} : memref<80x128xf32, #tpu.memory_space<vmem>>, vector<1x16xf32>,
        %sub3A_152 = arith.subf %get3A_145, %get3A_141 : vector<16xf32>
        %swap3A_153 = arith.index_cast %scan3A_99 : i32 to index
        %swap3A_154 = arith.constant 32 : index
        %swap3A_155 = tpu.vector_load %arg13[%swap3A_153, %swap3A_154] {strides = array<i32>} : memref<80x128xf32, #tpu.memory_space<vmem>>, vector<1x16xf32>,
        %swap3A_156 = vector.shape_cast %swap3A_155 : vector<1x16xf32> to vector<16xf32>
        %swap3A_157 = vector.shape_cast %sub3A_152 : vector<16xf32> to vector<1x16xf32>
        tpu.vector_store %arg13[%swap3A_153, %swap3A_154], %swap3A_157 {strides = array<i32>} : memref<80x128xf32, #tpu.memory_space<vmem>>, vector<1x16xf32>,
        %get3A_158 = arith.index_cast %scan3A_99 : i32 to index
        %get3A_159 = arith.constant 48 : index
        %get3A_160 = tpu.vector_load %arg12[%get3A_158, %get3A_159] {strides = array<i32>} : memref<80x128xf32, #tpu.memory_space<vmem>>, vector<1x16xf32>,
        %get3A_161 = vector.shape_cast %get3A_160 : vector<1x16xf32> to vector<16xf32>
        %get3A_162 = arith.index_cast %scan3A_99 : i32 to index
        %get3A_163 = arith.constant 48 : index
        %get3A_164 = tpu.vector_load %arg13[%get3A_162, %get3A_163] {strides = array<i32>} : memref<80x128xf32, #tpu.memory_space<vmem>>, vector<1x16xf32>,
        %get3A_165 = vector.shape_cast %get3A_164 : vector<1x16xf32> to vector<16xf32>
        %sub3A_166 = arith.subf %get3A_161, %get3A_165 : vector<16xf32>
        %swap3A_167 = arith.index_cast %scan3A_99 : i32 to index
        %swap3A_168 = arith.constant 48 : index
        %swap3A_169 = tpu.vector_load %arg12[%swap3A_167, %swap3A_168] {strides = array<i32>} : memref<80x128xf32, #tpu.memory_space<vmem>>, vector<1x16xf32>,
        %swap3A_170 = vector.shape_cast %swap3A_169 : vector<1x16xf32> to vector<16xf32>
        %swap3A_171 = vector.shape_cast %sub3A_166 : vector<16xf32> to vector<1x16xf32>
        tpu.vector_store %arg12[%swap3A_167, %swap3A_168], %swap3A_171 {strides = array<i32>} : memref<80x128xf32, #tpu.memory_space<vmem>>, vector<1x16xf32>,
        %sub3A_172 = arith.subf %get3A_165, %get3A_161 : vector<16xf32>
        %swap3A_173 = arith.index_cast %scan3A_99 : i32 to index
        %swap3A_174 = arith.constant 48 : index
        %swap3A_175 = tpu.vector_load %arg13[%swap3A_173, %swap3A_174] {strides = array<i32>} : memref<80x128xf32, #tpu.memory_space<vmem>>, vector<1x16xf32>,
        %swap3A_176 = vector.shape_cast %swap3A_175 : vector<1x16xf32> to vector<16xf32>
        %swap3A_177 = vector.shape_cast %sub3A_172 : vector<16xf32> to vector<1x16xf32>
        tpu.vector_store %arg13[%swap3A_173, %swap3A_174], %swap3A_177 {strides = array<i32>} : memref<80x128xf32, #tpu.memory_space<vmem>>, vector<1x16xf32>,
        %get3A_178 = arith.index_cast %scan3A_99 : i32 to index
        %get3A_179 = arith.constant 64 : index
        %get3A_180 = tpu.vector_load %arg12[%get3A_178, %get3A_179] {strides = array<i32>} : memref<80x128xf32, #tpu.memory_space<vmem>>, vector<1x16xf32>,
        %get3A_181 = vector.shape_cast %get3A_180 : vector<1x16xf32> to vector<16xf32>
        %get3A_182 = arith.index_cast %scan3A_99 : i32 to index
        %get3A_183 = arith.constant 64 : index
        %get3A_184 = tpu.vector_load %arg13[%get3A_182, %get3A_183] {strides = array<i32>} : memref<80x128xf32, #tpu.memory_space<vmem>>, vector<1x16xf32>,
        %get3A_185 = vector.shape_cast %get3A_184 : vector<1x16xf32> to vector<16xf32>
        %sub3A_186 = arith.subf %get3A_181, %get3A_185 : vector<16xf32>
        %swap3A_187 = arith.index_cast %scan3A_99 : i32 to index
        %swap3A_188 = arith.constant 64 : index
        %swap3A_189 = tpu.vector_load %arg12[%swap3A_187, %swap3A_188] {strides = array<i32>} : memref<80x128xf32, #tpu.memory_space<vmem>>, vector<1x16xf32>,
        %swap3A_190 = vector.shape_cast %swap3A_189 : vector<1x16xf32> to vector<16xf32>
        %swap3A_191 = vector.shape_cast %sub3A_186 : vector<16xf32> to vector<1x16xf32>
        tpu.vector_store %arg12[%swap3A_187, %swap3A_188], %swap3A_191 {strides = array<i32>} : memref<80x128xf32, #tpu.memory_space<vmem>>, vector<1x16xf32>,
        %sub3A_192 = arith.subf %get3A_185, %get3A_181 : vector<16xf32>
        %swap3A_193 = arith.index_cast %scan3A_99 : i32 to index
        %swap3A_194 = arith.constant 64 : index
        %swap3A_195 = tpu.vector_load %arg13[%swap3A_193, %swap3A_194] {strides = array<i32>} : memref<80x128xf32, #tpu.memory_space<vmem>>, vector<1x16xf32>,
        %swap3A_196 = vector.shape_cast %swap3A_195 : vector<1x16xf32> to vector<16xf32>
        %swap3A_197 = vector.shape_cast %sub3A_192 : vector<16xf32> to vector<1x16xf32>
        tpu.vector_store %arg13[%swap3A_193, %swap3A_194], %swap3A_197 {strides = array<i32>} : memref<80x128xf32, #tpu.memory_space<vmem>>, vector<1x16xf32>,
        %get3A_198 = arith.index_cast %scan3A_99 : i32 to index
        %get3A_199 = arith.constant 80 : index
        %get3A_200 = tpu.vector_load %arg12[%get3A_198, %get3A_199] {strides = array<i32>} : memref<80x128xf32, #tpu.memory_space<vmem>>, vector<1x16xf32>,
        %get3A_201 = vector.shape_cast %get3A_200 : vector<1x16xf32> to vector<16xf32>
        %get3A_202 = arith.index_cast %scan3A_99 : i32 to index
        %get3A_203 = arith.constant 80 : index
        %get3A_204 = tpu.vector_load %arg13[%get3A_202, %get3A_203] {strides = array<i32>} : memref<80x128xf32, #tpu.memory_space<vmem>>, vector<1x16xf32>,
        %get3A_205 = vector.shape_cast %get3A_204 : vector<1x16xf32> to vector<16xf32>
        %sub3A_206 = arith.subf %get3A_201, %get3A_205 : vector<16xf32>
        %swap3A_207 = arith.index_cast %scan3A_99 : i32 to index
        %swap3A_208 = arith.constant 80 : index
        %swap3A_209 = tpu.vector_load %arg12[%swap3A_207, %swap3A_208] {strides = array<i32>} : memref<80x128xf32, #tpu.memory_space<vmem>>, vector<1x16xf32>,
        %swap3A_210 = vector.shape_cast %swap3A_209 : vector<1x16xf32> to vector<16xf32>
        %swap3A_211 = vector.shape_cast %sub3A_206 : vector<16xf32> to vector<1x16xf32>
        tpu.vector_store %arg12[%swap3A_207, %swap3A_208], %swap3A_211 {strides = array<i32>} : memref<80x128xf32, #tpu.memory_space<vmem>>, vector<1x16xf32>,
        %sub3A_212 = arith.subf %get3A_205, %get3A_201 : vector<16xf32>
        %swap3A_213 = arith.index_cast %scan3A_99 : i32 to index
        %swap3A_214 = arith.constant 80 : index
        %swap3A_215 = tpu.vector_load %arg13[%swap3A_213, %swap3A_214] {strides = array<i32>} : memref<80x128xf32, #tpu.memory_space<vmem>>, vector<1x16xf32>,
        %swap3A_216 = vector.shape_cast %swap3A_215 : vector<1x16xf32> to vector<16xf32>
        %swap3A_217 = vector.shape_cast %sub3A_212 : vector<16xf32> to vector<1x16xf32>
        tpu.vector_store %arg13[%swap3A_213, %swap3A_214], %swap3A_217 {strides = array<i32>} : memref<80x128xf32, #tpu.memory_space<vmem>>, vector<1x16xf32>,
        %get3A_218 = arith.index_cast %scan3A_99 : i32 to index
        %get3A_219 = arith.constant 96 : index
        %get3A_220 = tpu.vector_load %arg12[%get3A_218, %get3A_219] {strides = array<i32>} : memref<80x128xf32, #tpu.memory_space<vmem>>, vector<1x16xf32>,
        %get3A_221 = vector.shape_cast %get3A_220 : vector<1x16xf32> to vector<16xf32>
        %get3A_222 = arith.index_cast %scan3A_99 : i32 to index
        %get3A_223 = arith.constant 96 : index
        %get3A_224 = tpu.vector_load %arg13[%get3A_222, %get3A_223] {strides = array<i32>} : memref<80x128xf32, #tpu.memory_space<vmem>>, vector<1x16xf32>,
        %get3A_225 = vector.shape_cast %get3A_224 : vector<1x16xf32> to vector<16xf32>
        %sub3A_226 = arith.subf %get3A_221, %get3A_225 : vector<16xf32>
        %swap3A_227 = arith.index_cast %scan3A_99 : i32 to index
        %swap3A_228 = arith.constant 96 : index
        %swap3A_229 = tpu.vector_load %arg12[%swap3A_227, %swap3A_228] {strides = array<i32>} : memref<80x128xf32, #tpu.memory_space<vmem>>, vector<1x16xf32>,
        %swap3A_230 = vector.shape_cast %swap3A_229 : vector<1x16xf32> to vector<16xf32>
        %swap3A_231 = vector.shape_cast %sub3A_226 : vector<16xf32> to vector<1x16xf32>
        tpu.vector_store %arg12[%swap3A_227, %swap3A_228], %swap3A_231 {strides = array<i32>} : memref<80x128xf32, #tpu.memory_space<vmem>>, vector<1x16xf32>,
        %sub3A_232 = arith.subf %get3A_225, %get3A_221 : vector<16xf32>
        %swap3A_233 = arith.index_cast %scan3A_99 : i32 to index
        %swap3A_234 = arith.constant 96 : index
        %swap3A_235 = tpu.vector_load %arg13[%swap3A_233, %swap3A_234] {strides = array<i32>} : memref<80x128xf32, #tpu.memory_space<vmem>>, vector<1x16xf32>,
        %swap3A_236 = vector.shape_cast %swap3A_235 : vector<1x16xf32> to vector<16xf32>
        %swap3A_237 = vector.shape_cast %sub3A_232 : vector<16xf32> to vector<1x16xf32>
        tpu.vector_store %arg13[%swap3A_233, %swap3A_234], %swap3A_237 {strides = array<i32>} : memref<80x128xf32, #tpu.memory_space<vmem>>, vector<1x16xf32>,
        %get3A_238 = arith.index_cast %scan3A_99 : i32 to index
        %get3A_239 = arith.constant 112 : index
        %get3A_240 = tpu.vector_load %arg12[%get3A_238, %get3A_239] {strides = array<i32>} : memref<80x128xf32, #tpu.memory_space<vmem>>, vector<1x16xf32>,
        %get3A_241 = vector.shape_cast %get3A_240 : vector<1x16xf32> to vector<16xf32>
        %get3A_242 = arith.index_cast %scan3A_99 : i32 to index
        %get3A_243 = arith.constant 112 : index
        %get3A_244 = tpu.vector_load %arg13[%get3A_242, %get3A_243] {strides = array<i32>} : memref<80x128xf32, #tpu.memory_space<vmem>>, vector<1x16xf32>,
        %get3A_245 = vector.shape_cast %get3A_244 : vector<1x16xf32> to vector<16xf32>
        %sub3A_246 = arith.subf %get3A_241, %get3A_245 : vector<16xf32>
        %swap3A_247 = arith.index_cast %scan3A_99 : i32 to index
        %swap3A_248 = arith.constant 112 : index
        %swap3A_249 = tpu.vector_load %arg12[%swap3A_247, %swap3A_248] {strides = array<i32>} : memref<80x128xf32, #tpu.memory_space<vmem>>, vector<1x16xf32>,
        %swap3A_250 = vector.shape_cast %swap3A_249 : vector<1x16xf32> to vector<16xf32>
        %swap3A_251 = vector.shape_cast %sub3A_246 : vector<16xf32> to vector<1x16xf32>
        tpu.vector_store %arg12[%swap3A_247, %swap3A_248], %swap3A_251 {strides = array<i32>} : memref<80x128xf32, #tpu.memory_space<vmem>>, vector<1x16xf32>,
        %sub3A_252 = arith.subf %get3A_245, %get3A_241 : vector<16xf32>
        %swap3A_253 = arith.index_cast %scan3A_99 : i32 to index
        %swap3A_254 = arith.constant 112 : index
        %swap3A_255 = tpu.vector_load %arg13[%swap3A_253, %swap3A_254] {strides = array<i32>} : memref<80x128xf32, #tpu.memory_space<vmem>>, vector<1x16xf32>,
        %swap3A_256 = vector.shape_cast %swap3A_255 : vector<1x16xf32> to vector<16xf32>
        %swap3A_257 = vector.shape_cast %sub3A_252 : vector<16xf32> to vector<1x16xf32>
        tpu.vector_store %arg13[%swap3A_253, %swap3A_254], %swap3A_257 {strides = array<i32>} : memref<80x128xf32, #tpu.memory_space<vmem>>, vector<1x16xf32>,
        %scan3A_258 = arith.constant 0 : i32
        scf.yield %scan3A_258 : i32
      }
      %scan3A_60 = arith.constant 80 : i32
      %dma_start3A_61 = arith.constant 0 : i32
      %dma_start3A_62 = arith.constant 0 : i32
      %dma_start3A_63 = tpu.memref_slice %arg16[%dma_start3A_61, %dma_start3A_62] : memref<10240x128xf32, #tpu.memory_space<vmem_shared>> -> memref<10240x128xf32, #tpu.memory_space<vmem_shared>>
      tpu.enqueue_indirect_dma source(%arg12 : memref<80x128xf32, #tpu.memory_space<vmem>>) target(%dma_start3A_63 : memref<10240x128xf32, #tpu.memory_space<vmem_shared>>) offsets(%arg8 : memref<80xi32, #tpu.memory_space<vmem>>) semaphore(%arg19 : memref<!tpu.dma_semaphore, #tpu.memory_space<semaphore_mem>>) {add = true}
      %dma_start3A_64 = arith.constant 0 : i32
      %dma_start3A_65 = arith.constant 0 : i32
      %dma_start3A_66 = tpu.memref_slice %arg16[%dma_start3A_64, %dma_start3A_65] : memref<10240x128xf32, #tpu.memory_space<vmem_shared>> -> memref<10240x128xf32, #tpu.memory_space<vmem_shared>>
      tpu.enqueue_indirect_dma source(%arg13 : memref<80x128xf32, #tpu.memory_space<vmem>>) target(%dma_start3A_66 : memref<10240x128xf32, #tpu.memory_space<vmem_shared>>) offsets(%arg9 : memref<80xi32, #tpu.memory_space<vmem>>) semaphore(%arg19 : memref<!tpu.dma_semaphore, #tpu.memory_space<semaphore_mem>>) {add = true}
      %dma_wait3A_67 = arith.constant 0 : i32
      %dma_wait3A_68 = arith.constant 0 : i32
      %dma_wait3A_69 = tpu.memref_slice %arg2[%dma_wait3A_67, %dma_wait3A_68] : memref<10000x128xf32, #tpu.memory_space<hbm>> -> memref<10000x128xf32, #tpu.memory_space<hbm>>
      tpu.wait_indirect_dma semaphore(%arg18 : memref<!tpu.dma_semaphore, #tpu.memory_space<semaphore_mem>>) src(%dma_wait3A_69 : memref<10000x128xf32, #tpu.memory_space<hbm>>) dst(%arg14 : memref<80x128xf32, #tpu.memory_space<vmem>>)
      %dma_wait3A_70 = arith.constant 0 : i32
      %dma_wait3A_71 = arith.constant 0 : i32
      %dma_wait3A_72 = tpu.memref_slice %arg2[%dma_wait3A_70, %dma_wait3A_71] : memref<10000x128xf32, #tpu.memory_space<hbm>> -> memref<10000x128xf32, #tpu.memory_space<hbm>>
      tpu.wait_indirect_dma semaphore(%arg18 : memref<!tpu.dma_semaphore, #tpu.memory_space<semaphore_mem>>) src(%dma_wait3A_72 : memref<10000x128xf32, #tpu.memory_space<hbm>>) dst(%arg15 : memref<80x128xf32, #tpu.memory_space<vmem>>)
      %scan3A_73 = arith.constant 0 : i32
      %scan3A_74 = arith.constant 0 : i32
      %scan3A_75 = arith.constant 80 : i32
      %scan3A_76 = arith.addi %scan3A_74, %scan3A_75 : i32
      %scan3A_77 = arith.constant 1 : i32
      %scan3A_78 = scf.for %scan3A_99 = %scan3A_74 to %scan3A_76 step %scan3A_77 iter_args(%scan3A_100 = %scan3A_73) -> (i32)  : i32 {
        %get3A = arith.index_cast %scan3A_99 : i32 to index
        %get3A_101 = arith.constant 0 : index
        %get3A_102 = tpu.vector_load %arg14[%get3A, %get3A_101] {strides = array<i32>} : memref<80x128xf32, #tpu.memory_space<vmem>>, vector<1x16xf32>,
        %get3A_103 = vector.shape_cast %get3A_102 : vector<1x16xf32> to vector<16xf32>
        %get3A_104 = arith.index_cast %scan3A_99 : i32 to index
        %get3A_105 = arith.constant 0 : index
        %get3A_106 = tpu.vector_load %arg15[%get3A_104, %get3A_105] {strides = array<i32>} : memref<80x128xf32, #tpu.memory_space<vmem>>, vector<1x16xf32>,
        %get3A_107 = vector.shape_cast %get3A_106 : vector<1x16xf32> to vector<16xf32>
        %sub3A = arith.subf %get3A_103, %get3A_107 : vector<16xf32>
        %swap3A = arith.index_cast %scan3A_99 : i32 to index
        %swap3A_108 = arith.constant 0 : index
        %swap3A_109 = tpu.vector_load %arg14[%swap3A, %swap3A_108] {strides = array<i32>} : memref<80x128xf32, #tpu.memory_space<vmem>>, vector<1x16xf32>,
        %swap3A_110 = vector.shape_cast %swap3A_109 : vector<1x16xf32> to vector<16xf32>
        %swap3A_111 = vector.shape_cast %sub3A : vector<16xf32> to vector<1x16xf32>
        tpu.vector_store %arg14[%swap3A, %swap3A_108], %swap3A_111 {strides = array<i32>} : memref<80x128xf32, #tpu.memory_space<vmem>>, vector<1x16xf32>,
        %sub3A_112 = arith.subf %get3A_107, %get3A_103 : vector<16xf32>
        %swap3A_113 = arith.index_cast %scan3A_99 : i32 to index
        %swap3A_114 = arith.constant 0 : index
        %swap3A_115 = tpu.vector_load %arg15[%swap3A_113, %swap3A_114] {strides = array<i32>} : memref<80x128xf32, #tpu.memory_space<vmem>>, vector<1x16xf32>,
        %swap3A_116 = vector.shape_cast %swap3A_115 : vector<1x16xf32> to vector<16xf32>
        %swap3A_117 = vector.shape_cast %sub3A_112 : vector<16xf32> to vector<1x16xf32>
        tpu.vector_store %arg15[%swap3A_113, %swap3A_114], %swap3A_117 {strides = array<i32>} : memref<80x128xf32, #tpu.memory_space<vmem>>, vector<1x16xf32>,
        %get3A_118 = arith.index_cast %scan3A_99 : i32 to index
        %get3A_119 = arith.constant 16 : index
        %get3A_120 = tpu.vector_load %arg14[%get3A_118, %get3A_119] {strides = array<i32>} : memref<80x128xf32, #tpu.memory_space<vmem>>, vector<1x16xf32>,
        %get3A_121 = vector.shape_cast %get3A_120 : vector<1x16xf32> to vector<16xf32>
        %get3A_122 = arith.index_cast %scan3A_99 : i32 to index
        %get3A_123 = arith.constant 16 : index
        %get3A_124 = tpu.vector_load %arg15[%get3A_122, %get3A_123] {strides = array<i32>} : memref<80x128xf32, #tpu.memory_space<vmem>>, vector<1x16xf32>,
        %get3A_125 = vector.shape_cast %get3A_124 : vector<1x16xf32> to vector<16xf32>
        %sub3A_126 = arith.subf %get3A_121, %get3A_125 : vector<16xf32>
        %swap3A_127 = arith.index_cast %scan3A_99 : i32 to index
        %swap3A_128 = arith.constant 16 : index
        %swap3A_129 = tpu.vector_load %arg14[%swap3A_127, %swap3A_128] {strides = array<i32>} : memref<80x128xf32, #tpu.memory_space<vmem>>, vector<1x16xf32>,
        %swap3A_130 = vector.shape_cast %swap3A_129 : vector<1x16xf32> to vector<16xf32>
        %swap3A_131 = vector.shape_cast %sub3A_126 : vector<16xf32> to vector<1x16xf32>
        tpu.vector_store %arg14[%swap3A_127, %swap3A_128], %swap3A_131 {strides = array<i32>} : memref<80x128xf32, #tpu.memory_space<vmem>>, vector<1x16xf32>,
        %sub3A_132 = arith.subf %get3A_125, %get3A_121 : vector<16xf32>
        %swap3A_133 = arith.index_cast %scan3A_99 : i32 to index
        %swap3A_134 = arith.constant 16 : index
        %swap3A_135 = tpu.vector_load %arg15[%swap3A_133, %swap3A_134] {strides = array<i32>} : memref<80x128xf32, #tpu.memory_space<vmem>>, vector<1x16xf32>,
        %swap3A_136 = vector.shape_cast %swap3A_135 : vector<1x16xf32> to vector<16xf32>
        %swap3A_137 = vector.shape_cast %sub3A_132 : vector<16xf32> to vector<1x16xf32>
        tpu.vector_store %arg15[%swap3A_133, %swap3A_134], %swap3A_137 {strides = array<i32>} : memref<80x128xf32, #tpu.memory_space<vmem>>, vector<1x16xf32>,
        %get3A_138 = arith.index_cast %scan3A_99 : i32 to index
        %get3A_139 = arith.constant 32 : index
        %get3A_140 = tpu.vector_load %arg14[%get3A_138, %get3A_139] {strides = array<i32>} : memref<80x128xf32, #tpu.memory_space<vmem>>, vector<1x16xf32>,
        %get3A_141 = vector.shape_cast %get3A_140 : vector<1x16xf32> to vector<16xf32>
        %get3A_142 = arith.index_cast %scan3A_99 : i32 to index
        %get3A_143 = arith.constant 32 : index
        %get3A_144 = tpu.vector_load %arg15[%get3A_142, %get3A_143] {strides = array<i32>} : memref<80x128xf32, #tpu.memory_space<vmem>>, vector<1x16xf32>,
        %get3A_145 = vector.shape_cast %get3A_144 : vector<1x16xf32> to vector<16xf32>
        %sub3A_146 = arith.subf %get3A_141, %get3A_145 : vector<16xf32>
        %swap3A_147 = arith.index_cast %scan3A_99 : i32 to index
        %swap3A_148 = arith.constant 32 : index
        %swap3A_149 = tpu.vector_load %arg14[%swap3A_147, %swap3A_148] {strides = array<i32>} : memref<80x128xf32, #tpu.memory_space<vmem>>, vector<1x16xf32>,
        %swap3A_150 = vector.shape_cast %swap3A_149 : vector<1x16xf32> to vector<16xf32>
        %swap3A_151 = vector.shape_cast %sub3A_146 : vector<16xf32> to vector<1x16xf32>
        tpu.vector_store %arg14[%swap3A_147, %swap3A_148], %swap3A_151 {strides = array<i32>} : memref<80x128xf32, #tpu.memory_space<vmem>>, vector<1x16xf32>,
        %sub3A_152 = arith.subf %get3A_145, %get3A_141 : vector<16xf32>
        %swap3A_153 = arith.index_cast %scan3A_99 : i32 to index
        %swap3A_154 = arith.constant 32 : index
        %swap3A_155 = tpu.vector_load %arg15[%swap3A_153, %swap3A_154] {strides = array<i32>} : memref<80x128xf32, #tpu.memory_space<vmem>>, vector<1x16xf32>,
        %swap3A_156 = vector.shape_cast %swap3A_155 : vector<1x16xf32> to vector<16xf32>
        %swap3A_157 = vector.shape_cast %sub3A_152 : vector<16xf32> to vector<1x16xf32>
        tpu.vector_store %arg15[%swap3A_153, %swap3A_154], %swap3A_157 {strides = array<i32>} : memref<80x128xf32, #tpu.memory_space<vmem>>, vector<1x16xf32>,
        %get3A_158 = arith.index_cast %scan3A_99 : i32 to index
        %get3A_159 = arith.constant 48 : index
        %get3A_160 = tpu.vector_load %arg14[%get3A_158, %get3A_159] {strides = array<i32>} : memref<80x128xf32, #tpu.memory_space<vmem>>, vector<1x16xf32>,
        %get3A_161 = vector.shape_cast %get3A_160 : vector<1x16xf32> to vector<16xf32>
        %get3A_162 = arith.index_cast %scan3A_99 : i32 to index
        %get3A_163 = arith.constant 48 : index
        %get3A_164 = tpu.vector_load %arg15[%get3A_162, %get3A_163] {strides = array<i32>} : memref<80x128xf32, #tpu.memory_space<vmem>>, vector<1x16xf32>,
        %get3A_165 = vector.shape_cast %get3A_164 : vector<1x16xf32> to vector<16xf32>
        %sub3A_166 = arith.subf %get3A_161, %get3A_165 : vector<16xf32>
        %swap3A_167 = arith.index_cast %scan3A_99 : i32 to index
        %swap3A_168 = arith.constant 48 : index
        %swap3A_169 = tpu.vector_load %arg14[%swap3A_167, %swap3A_168] {strides = array<i32>} : memref<80x128xf32, #tpu.memory_space<vmem>>, vector<1x16xf32>,
        %swap3A_170 = vector.shape_cast %swap3A_169 : vector<1x16xf32> to vector<16xf32>
        %swap3A_171 = vector.shape_cast %sub3A_166 : vector<16xf32> to vector<1x16xf32>
        tpu.vector_store %arg14[%swap3A_167, %swap3A_168], %swap3A_171 {strides = array<i32>} : memref<80x128xf32, #tpu.memory_space<vmem>>, vector<1x16xf32>,
        %sub3A_172 = arith.subf %get3A_165, %get3A_161 : vector<16xf32>
        %swap3A_173 = arith.index_cast %scan3A_99 : i32 to index
        %swap3A_174 = arith.constant 48 : index
        %swap3A_175 = tpu.vector_load %arg15[%swap3A_173, %swap3A_174] {strides = array<i32>} : memref<80x128xf32, #tpu.memory_space<vmem>>, vector<1x16xf32>,
        %swap3A_176 = vector.shape_cast %swap3A_175 : vector<1x16xf32> to vector<16xf32>
        %swap3A_177 = vector.shape_cast %sub3A_172 : vector<16xf32> to vector<1x16xf32>
        tpu.vector_store %arg15[%swap3A_173, %swap3A_174], %swap3A_177 {strides = array<i32>} : memref<80x128xf32, #tpu.memory_space<vmem>>, vector<1x16xf32>,
        %get3A_178 = arith.index_cast %scan3A_99 : i32 to index
        %get3A_179 = arith.constant 64 : index
        %get3A_180 = tpu.vector_load %arg14[%get3A_178, %get3A_179] {strides = array<i32>} : memref<80x128xf32, #tpu.memory_space<vmem>>, vector<1x16xf32>,
        %get3A_181 = vector.shape_cast %get3A_180 : vector<1x16xf32> to vector<16xf32>
        %get3A_182 = arith.index_cast %scan3A_99 : i32 to index
        %get3A_183 = arith.constant 64 : index
        %get3A_184 = tpu.vector_load %arg15[%get3A_182, %get3A_183] {strides = array<i32>} : memref<80x128xf32, #tpu.memory_space<vmem>>, vector<1x16xf32>,
        %get3A_185 = vector.shape_cast %get3A_184 : vector<1x16xf32> to vector<16xf32>
        %sub3A_186 = arith.subf %get3A_181, %get3A_185 : vector<16xf32>
        %swap3A_187 = arith.index_cast %scan3A_99 : i32 to index
        %swap3A_188 = arith.constant 64 : index
        %swap3A_189 = tpu.vector_load %arg14[%swap3A_187, %swap3A_188] {strides = array<i32>} : memref<80x128xf32, #tpu.memory_space<vmem>>, vector<1x16xf32>,
        %swap3A_190 = vector.shape_cast %swap3A_189 : vector<1x16xf32> to vector<16xf32>
        %swap3A_191 = vector.shape_cast %sub3A_186 : vector<16xf32> to vector<1x16xf32>
        tpu.vector_store %arg14[%swap3A_187, %swap3A_188], %swap3A_191 {strides = array<i32>} : memref<80x128xf32, #tpu.memory_space<vmem>>, vector<1x16xf32>,
        %sub3A_192 = arith.subf %get3A_185, %get3A_181 : vector<16xf32>
        %swap3A_193 = arith.index_cast %scan3A_99 : i32 to index
        %swap3A_194 = arith.constant 64 : index
        %swap3A_195 = tpu.vector_load %arg15[%swap3A_193, %swap3A_194] {strides = array<i32>} : memref<80x128xf32, #tpu.memory_space<vmem>>, vector<1x16xf32>,
        %swap3A_196 = vector.shape_cast %swap3A_195 : vector<1x16xf32> to vector<16xf32>
        %swap3A_197 = vector.shape_cast %sub3A_192 : vector<16xf32> to vector<1x16xf32>
        tpu.vector_store %arg15[%swap3A_193, %swap3A_194], %swap3A_197 {strides = array<i32>} : memref<80x128xf32, #tpu.memory_space<vmem>>, vector<1x16xf32>,
        %get3A_198 = arith.index_cast %scan3A_99 : i32 to index
        %get3A_199 = arith.constant 80 : index
        %get3A_200 = tpu.vector_load %arg14[%get3A_198, %get3A_199] {strides = array<i32>} : memref<80x128xf32, #tpu.memory_space<vmem>>, vector<1x16xf32>,
        %get3A_201 = vector.shape_cast %get3A_200 : vector<1x16xf32> to vector<16xf32>
        %get3A_202 = arith.index_cast %scan3A_99 : i32 to index
        %get3A_203 = arith.constant 80 : index
        %get3A_204 = tpu.vector_load %arg15[%get3A_202, %get3A_203] {strides = array<i32>} : memref<80x128xf32, #tpu.memory_space<vmem>>, vector<1x16xf32>,
        %get3A_205 = vector.shape_cast %get3A_204 : vector<1x16xf32> to vector<16xf32>
        %sub3A_206 = arith.subf %get3A_201, %get3A_205 : vector<16xf32>
        %swap3A_207 = arith.index_cast %scan3A_99 : i32 to index
        %swap3A_208 = arith.constant 80 : index
        %swap3A_209 = tpu.vector_load %arg14[%swap3A_207, %swap3A_208] {strides = array<i32>} : memref<80x128xf32, #tpu.memory_space<vmem>>, vector<1x16xf32>,
        %swap3A_210 = vector.shape_cast %swap3A_209 : vector<1x16xf32> to vector<16xf32>
        %swap3A_211 = vector.shape_cast %sub3A_206 : vector<16xf32> to vector<1x16xf32>
        tpu.vector_store %arg14[%swap3A_207, %swap3A_208], %swap3A_211 {strides = array<i32>} : memref<80x128xf32, #tpu.memory_space<vmem>>, vector<1x16xf32>,
        %sub3A_212 = arith.subf %get3A_205, %get3A_201 : vector<16xf32>
        %swap3A_213 = arith.index_cast %scan3A_99 : i32 to index
        %swap3A_214 = arith.constant 80 : index
        %swap3A_215 = tpu.vector_load %arg15[%swap3A_213, %swap3A_214] {strides = array<i32>} : memref<80x128xf32, #tpu.memory_space<vmem>>, vector<1x16xf32>,
        %swap3A_216 = vector.shape_cast %swap3A_215 : vector<1x16xf32> to vector<16xf32>
        %swap3A_217 = vector.shape_cast %sub3A_212 : vector<16xf32> to vector<1x16xf32>
        tpu.vector_store %arg15[%swap3A_213, %swap3A_214], %swap3A_217 {strides = array<i32>} : memref<80x128xf32, #tpu.memory_space<vmem>>, vector<1x16xf32>,
        %get3A_218 = arith.index_cast %scan3A_99 : i32 to index
        %get3A_219 = arith.constant 96 : index
        %get3A_220 = tpu.vector_load %arg14[%get3A_218, %get3A_219] {strides = array<i32>} : memref<80x128xf32, #tpu.memory_space<vmem>>, vector<1x16xf32>,
        %get3A_221 = vector.shape_cast %get3A_220 : vector<1x16xf32> to vector<16xf32>
        %get3A_222 = arith.index_cast %scan3A_99 : i32 to index
        %get3A_223 = arith.constant 96 : index
        %get3A_224 = tpu.vector_load %arg15[%get3A_222, %get3A_223] {strides = array<i32>} : memref<80x128xf32, #tpu.memory_space<vmem>>, vector<1x16xf32>,
        %get3A_225 = vector.shape_cast %get3A_224 : vector<1x16xf32> to vector<16xf32>
        %sub3A_226 = arith.subf %get3A_221, %get3A_225 : vector<16xf32>
        %swap3A_227 = arith.index_cast %scan3A_99 : i32 to index
        %swap3A_228 = arith.constant 96 : index
        %swap3A_229 = tpu.vector_load %arg14[%swap3A_227, %swap3A_228] {strides = array<i32>} : memref<80x128xf32, #tpu.memory_space<vmem>>, vector<1x16xf32>,
        %swap3A_230 = vector.shape_cast %swap3A_229 : vector<1x16xf32> to vector<16xf32>
        %swap3A_231 = vector.shape_cast %sub3A_226 : vector<16xf32> to vector<1x16xf32>
        tpu.vector_store %arg14[%swap3A_227, %swap3A_228], %swap3A_231 {strides = array<i32>} : memref<80x128xf32, #tpu.memory_space<vmem>>, vector<1x16xf32>,
        %sub3A_232 = arith.subf %get3A_225, %get3A_221 : vector<16xf32>
        %swap3A_233 = arith.index_cast %scan3A_99 : i32 to index
        %swap3A_234 = arith.constant 96 : index
        %swap3A_235 = tpu.vector_load %arg15[%swap3A_233, %swap3A_234] {strides = array<i32>} : memref<80x128xf32, #tpu.memory_space<vmem>>, vector<1x16xf32>,
        %swap3A_236 = vector.shape_cast %swap3A_235 : vector<1x16xf32> to vector<16xf32>
        %swap3A_237 = vector.shape_cast %sub3A_232 : vector<16xf32> to vector<1x16xf32>
        tpu.vector_store %arg15[%swap3A_233, %swap3A_234], %swap3A_237 {strides = array<i32>} : memref<80x128xf32, #tpu.memory_space<vmem>>, vector<1x16xf32>,
        %get3A_238 = arith.index_cast %scan3A_99 : i32 to index
        %get3A_239 = arith.constant 112 : index
        %get3A_240 = tpu.vector_load %arg14[%get3A_238, %get3A_239] {strides = array<i32>} : memref<80x128xf32, #tpu.memory_space<vmem>>, vector<1x16xf32>,
        %get3A_241 = vector.shape_cast %get3A_240 : vector<1x16xf32> to vector<16xf32>
        %get3A_242 = arith.index_cast %scan3A_99 : i32 to index
        %get3A_243 = arith.constant 112 : index
        %get3A_244 = tpu.vector_load %arg15[%get3A_242, %get3A_243] {strides = array<i32>} : memref<80x128xf32, #tpu.memory_space<vmem>>, vector<1x16xf32>,
        %get3A_245 = vector.shape_cast %get3A_244 : vector<1x16xf32> to vector<16xf32>
        %sub3A_246 = arith.subf %get3A_241, %get3A_245 : vector<16xf32>
        %swap3A_247 = arith.index_cast %scan3A_99 : i32 to index
        %swap3A_248 = arith.constant 112 : index
        %swap3A_249 = tpu.vector_load %arg14[%swap3A_247, %swap3A_248] {strides = array<i32>} : memref<80x128xf32, #tpu.memory_space<vmem>>, vector<1x16xf32>,
        %swap3A_250 = vector.shape_cast %swap3A_249 : vector<1x16xf32> to vector<16xf32>
        %swap3A_251 = vector.shape_cast %sub3A_246 : vector<16xf32> to vector<1x16xf32>
        tpu.vector_store %arg14[%swap3A_247, %swap3A_248], %swap3A_251 {strides = array<i32>} : memref<80x128xf32, #tpu.memory_space<vmem>>, vector<1x16xf32>,
        %sub3A_252 = arith.subf %get3A_245, %get3A_241 : vector<16xf32>
        %swap3A_253 = arith.index_cast %scan3A_99 : i32 to index
        %swap3A_254 = arith.constant 112 : index
        %swap3A_255 = tpu.vector_load %arg15[%swap3A_253, %swap3A_254] {strides = array<i32>} : memref<80x128xf32, #tpu.memory_space<vmem>>, vector<1x16xf32>,
        %swap3A_256 = vector.shape_cast %swap3A_255 : vector<1x16xf32> to vector<16xf32>
        %swap3A_257 = vector.shape_cast %sub3A_252 : vector<16xf32> to vector<1x16xf32>
        tpu.vector_store %arg15[%swap3A_253, %swap3A_254], %swap3A_257 {strides = array<i32>} : memref<80x128xf32, #tpu.memory_space<vmem>>, vector<1x16xf32>,
        %scan3A_258 = arith.constant 0 : i32
        scf.yield %scan3A_258 : i32
      }
      %scan3A_79 = arith.constant 80 : i32
      %dma_start3A_80 = arith.constant 0 : i32
      %dma_start3A_81 = arith.constant 0 : i32
      %dma_start3A_82 = tpu.memref_slice %arg16[%dma_start3A_80, %dma_start3A_81] : memref<10240x128xf32, #tpu.memory_space<vmem_shared>> -> memref<10240x128xf32, #tpu.memory_space<vmem_shared>>
      tpu.enqueue_indirect_dma source(%arg14 : memref<80x128xf32, #tpu.memory_space<vmem>>) target(%dma_start3A_82 : memref<10240x128xf32, #tpu.memory_space<vmem_shared>>) offsets(%arg10 : memref<80xi32, #tpu.memory_space<vmem>>) semaphore(%arg20 : memref<!tpu.dma_semaphore, #tpu.memory_space<semaphore_mem>>) {add = true}
      %dma_start3A_83 = arith.constant 0 : i32
      %dma_start3A_84 = arith.constant 0 : i32
      %dma_start3A_85 = tpu.memref_slice %arg16[%dma_start3A_83, %dma_start3A_84] : memref<10240x128xf32, #tpu.memory_space<vmem_shared>> -> memref<10240x128xf32, #tpu.memory_space<vmem_shared>>
      tpu.enqueue_indirect_dma source(%arg15 : memref<80x128xf32, #tpu.memory_space<vmem>>) target(%dma_start3A_85 : memref<10240x128xf32, #tpu.memory_space<vmem_shared>>) offsets(%arg11 : memref<80xi32, #tpu.memory_space<vmem>>) semaphore(%arg20 : memref<!tpu.dma_semaphore, #tpu.memory_space<semaphore_mem>>) {add = true}
      %add3A_86 = arith.constant 2 : i32
      %add3A_87 = arith.addi %add3A_47, %add3A_86 : i32
      %lt3A = arith.constant 126 : i32
      %lt3A_88 = arith.cmpi slt, %add3A_87, %lt3A : i32
      %convert_element_type3A_89 = arith.extui %lt3A_88 : i1 to i32
      %cond3A_90 = arith.constant 0 : i32
      %cond3A_91 = arith.cmpi ne, %convert_element_type3A_89, %cond3A_90 : i32
      scf.if %cond3A_91 {
        %dma_wait3A_99 = arith.constant 0 : i32
        %dma_wait3A_100 = arith.constant 0 : i32
        %dma_wait3A_101 = tpu.memref_slice %arg16[%dma_wait3A_99, %dma_wait3A_100] : memref<10240x128xf32, #tpu.memory_space<vmem_shared>> -> memref<10240x128xf32, #tpu.memory_space<vmem_shared>>
        tpu.wait_indirect_dma semaphore(%arg19 : memref<!tpu.dma_semaphore, #tpu.memory_space<semaphore_mem>>) src(%arg12 : memref<80x128xf32, #tpu.memory_space<vmem>>) dst(%dma_wait3A_101 : memref<10240x128xf32, #tpu.memory_space<vmem_shared>>)
        %dma_wait3A_102 = arith.constant 0 : i32
        %dma_wait3A_103 = arith.constant 0 : i32
        %dma_wait3A_104 = tpu.memref_slice %arg16[%dma_wait3A_102, %dma_wait3A_103] : memref<10240x128xf32, #tpu.memory_space<vmem_shared>> -> memref<10240x128xf32, #tpu.memory_space<vmem_shared>>
        tpu.wait_indirect_dma semaphore(%arg19 : memref<!tpu.dma_semaphore, #tpu.memory_space<semaphore_mem>>) src(%arg13 : memref<80x128xf32, #tpu.memory_space<vmem>>) dst(%dma_wait3A_104 : memref<10240x128xf32, #tpu.memory_space<vmem_shared>>)
        %add3A_105 = arith.constant 2 : i32
        %add3A_106 = arith.addi %add3A_47, %add3A_105 : i32
        %mul3A_107 = arith.constant 80 : i32
        %mul3A_108 = arith.muli %add3A_106, %mul3A_107 : i32
        %add3A_109 = arith.addi %mul3A_4, %mul3A_108 : i32
        "tpu.region"() ({
          %run_scoped3A = tpu.sem_alloc : memref<!tpu.dma_semaphore, #tpu.memory_space<semaphore_mem>>
          %dma_start3A_116 = tpu.memref_slice %arg3[%add3A_109] : memref<322560xi32, #tpu.memory_space<hbm>> -> memref<80xi32, #tpu.memory_space<hbm>>
          %dma_start3A_117 = tpu.memref_slice %arg3[%add3A_109] : memref<322560xi32, #tpu.memory_space<hbm>> -> memref<80xi32, #tpu.memory_space<hbm>>
          tpu.enqueue_dma source(%dma_start3A_117 : memref<80xi32, #tpu.memory_space<hbm>>) target(%arg8 : memref<80xi32, #tpu.memory_space<vmem>>) target_semaphore(%run_scoped3A : memref<!tpu.dma_semaphore, #tpu.memory_space<semaphore_mem>>)
          %dma_wait3A_118 = tpu.memref_slice %arg3[%add3A_109] : memref<322560xi32, #tpu.memory_space<hbm>> -> memref<80xi32, #tpu.memory_space<hbm>>
          %dma_wait3A_119 = tpu.memref_slice %arg3[%add3A_109] : memref<322560xi32, #tpu.memory_space<hbm>> -> memref<80xi32, #tpu.memory_space<hbm>>
          tpu.wait_dma2 semaphore(%run_scoped3A : memref<!tpu.dma_semaphore, #tpu.memory_space<semaphore_mem>>) src(%dma_wait3A_119 : memref<80xi32, #tpu.memory_space<hbm>>) dst(%arg8 : memref<80xi32, #tpu.memory_space<vmem>>)
          tpu.yield
        }) : () -> ()
        "tpu.region"() ({
          %run_scoped3A = tpu.sem_alloc : memref<!tpu.dma_semaphore, #tpu.memory_space<semaphore_mem>>
          %dma_start3A_116 = tpu.memref_slice %arg4[%add3A_109] : memref<322560xi32, #tpu.memory_space<hbm>> -> memref<80xi32, #tpu.memory_space<hbm>>
          %dma_start3A_117 = tpu.memref_slice %arg4[%add3A_109] : memref<322560xi32, #tpu.memory_space<hbm>> -> memref<80xi32, #tpu.memory_space<hbm>>
          tpu.enqueue_dma source(%dma_start3A_117 : memref<80xi32, #tpu.memory_space<hbm>>) target(%arg9 : memref<80xi32, #tpu.memory_space<vmem>>) target_semaphore(%run_scoped3A : memref<!tpu.dma_semaphore, #tpu.memory_space<semaphore_mem>>)
          %dma_wait3A_118 = tpu.memref_slice %arg4[%add3A_109] : memref<322560xi32, #tpu.memory_space<hbm>> -> memref<80xi32, #tpu.memory_space<hbm>>
          %dma_wait3A_119 = tpu.memref_slice %arg4[%add3A_109] : memref<322560xi32, #tpu.memory_space<hbm>> -> memref<80xi32, #tpu.memory_space<hbm>>
          tpu.wait_dma2 semaphore(%run_scoped3A : memref<!tpu.dma_semaphore, #tpu.memory_space<semaphore_mem>>) src(%dma_wait3A_119 : memref<80xi32, #tpu.memory_space<hbm>>) dst(%arg9 : memref<80xi32, #tpu.memory_space<vmem>>)
          tpu.yield
        }) : () -> ()
        %dma_start3A_110 = arith.constant 0 : i32
        %dma_start3A_111 = arith.constant 0 : i32
        %dma_start3A_112 = tpu.memref_slice %arg2[%dma_start3A_110, %dma_start3A_111] : memref<10000x128xf32, #tpu.memory_space<hbm>> -> memref<10000x128xf32, #tpu.memory_space<hbm>>
        tpu.enqueue_indirect_dma source(%dma_start3A_112 : memref<10000x128xf32, #tpu.memory_space<hbm>>) target(%arg12 : memref<80x128xf32, #tpu.memory_space<vmem>>) offsets(%arg8 : memref<80xi32, #tpu.memory_space<vmem>>) semaphore(%arg17 : memref<!tpu.dma_semaphore, #tpu.memory_space<semaphore_mem>>)
        %dma_start3A_113 = arith.constant 0 : i32
        %dma_start3A_114 = arith.constant 0 : i32
        %dma_start3A_115 = tpu.memref_slice %arg2[%dma_start3A_113, %dma_start3A_114] : memref<10000x128xf32, #tpu.memory_space<hbm>> -> memref<10000x128xf32, #tpu.memory_space<hbm>>
        tpu.enqueue_indirect_dma source(%dma_start3A_115 : memref<10000x128xf32, #tpu.memory_space<hbm>>) target(%arg13 : memref<80x128xf32, #tpu.memory_space<vmem>>) offsets(%arg9 : memref<80xi32, #tpu.memory_space<vmem>>) semaphore(%arg17 : memref<!tpu.dma_semaphore, #tpu.memory_space<semaphore_mem>>)
      } else {
      }
      %add3A_92 = arith.constant 3 : i32
      %add3A_93 = arith.addi %add3A_47, %add3A_92 : i32
      %lt3A_94 = arith.constant 126 : i32
      %lt3A_95 = arith.cmpi slt, %add3A_93, %lt3A_94 : i32
      %convert_element_type3A_96 = arith.extui %lt3A_95 : i1 to i32
      %cond3A_97 = arith.constant 0 : i32
      %cond3A_98 = arith.cmpi ne, %convert_element_type3A_96, %cond3A_97 : i32
      scf.if %cond3A_98 {
        %dma_wait3A_99 = arith.constant 0 : i32
        %dma_wait3A_100 = arith.constant 0 : i32
        %dma_wait3A_101 = tpu.memref_slice %arg16[%dma_wait3A_99, %dma_wait3A_100] : memref<10240x128xf32, #tpu.memory_space<vmem_shared>> -> memref<10240x128xf32, #tpu.memory_space<vmem_shared>>
        tpu.wait_indirect_dma semaphore(%arg20 : memref<!tpu.dma_semaphore, #tpu.memory_space<semaphore_mem>>) src(%arg14 : memref<80x128xf32, #tpu.memory_space<vmem>>) dst(%dma_wait3A_101 : memref<10240x128xf32, #tpu.memory_space<vmem_shared>>)
        %dma_wait3A_102 = arith.constant 0 : i32
        %dma_wait3A_103 = arith.constant 0 : i32
        %dma_wait3A_104 = tpu.memref_slice %arg16[%dma_wait3A_102, %dma_wait3A_103] : memref<10240x128xf32, #tpu.memory_space<vmem_shared>> -> memref<10240x128xf32, #tpu.memory_space<vmem_shared>>
        tpu.wait_indirect_dma semaphore(%arg20 : memref<!tpu.dma_semaphore, #tpu.memory_space<semaphore_mem>>) src(%arg15 : memref<80x128xf32, #tpu.memory_space<vmem>>) dst(%dma_wait3A_104 : memref<10240x128xf32, #tpu.memory_space<vmem_shared>>)
        %add3A_105 = arith.constant 3 : i32
        %add3A_106 = arith.addi %add3A_47, %add3A_105 : i32
        %mul3A_107 = arith.constant 80 : i32
        %mul3A_108 = arith.muli %add3A_106, %mul3A_107 : i32
        %add3A_109 = arith.addi %mul3A_4, %mul3A_108 : i32
        "tpu.region"() ({
          %run_scoped3A = tpu.sem_alloc : memref<!tpu.dma_semaphore, #tpu.memory_space<semaphore_mem>>
          %dma_start3A_116 = tpu.memref_slice %arg3[%add3A_109] : memref<322560xi32, #tpu.memory_space<hbm>> -> memref<80xi32, #tpu.memory_space<hbm>>
          %dma_start3A_117 = tpu.memref_slice %arg3[%add3A_109] : memref<322560xi32, #tpu.memory_space<hbm>> -> memref<80xi32, #tpu.memory_space<hbm>>
          tpu.enqueue_dma source(%dma_start3A_117 : memref<80xi32, #tpu.memory_space<hbm>>) target(%arg10 : memref<80xi32, #tpu.memory_space<vmem>>) target_semaphore(%run_scoped3A : memref<!tpu.dma_semaphore, #tpu.memory_space<semaphore_mem>>)
          %dma_wait3A_118 = tpu.memref_slice %arg3[%add3A_109] : memref<322560xi32, #tpu.memory_space<hbm>> -> memref<80xi32, #tpu.memory_space<hbm>>
          %dma_wait3A_119 = tpu.memref_slice %arg3[%add3A_109] : memref<322560xi32, #tpu.memory_space<hbm>> -> memref<80xi32, #tpu.memory_space<hbm>>
          tpu.wait_dma2 semaphore(%run_scoped3A : memref<!tpu.dma_semaphore, #tpu.memory_space<semaphore_mem>>) src(%dma_wait3A_119 : memref<80xi32, #tpu.memory_space<hbm>>) dst(%arg10 : memref<80xi32, #tpu.memory_space<vmem>>)
          tpu.yield
        }) : () -> ()
        "tpu.region"() ({
          %run_scoped3A = tpu.sem_alloc : memref<!tpu.dma_semaphore, #tpu.memory_space<semaphore_mem>>
          %dma_start3A_116 = tpu.memref_slice %arg4[%add3A_109] : memref<322560xi32, #tpu.memory_space<hbm>> -> memref<80xi32, #tpu.memory_space<hbm>>
          %dma_start3A_117 = tpu.memref_slice %arg4[%add3A_109] : memref<322560xi32, #tpu.memory_space<hbm>> -> memref<80xi32, #tpu.memory_space<hbm>>
          tpu.enqueue_dma source(%dma_start3A_117 : memref<80xi32, #tpu.memory_space<hbm>>) target(%arg11 : memref<80xi32, #tpu.memory_space<vmem>>) target_semaphore(%run_scoped3A : memref<!tpu.dma_semaphore, #tpu.memory_space<semaphore_mem>>)
          %dma_wait3A_118 = tpu.memref_slice %arg4[%add3A_109] : memref<322560xi32, #tpu.memory_space<hbm>> -> memref<80xi32, #tpu.memory_space<hbm>>
          %dma_wait3A_119 = tpu.memref_slice %arg4[%add3A_109] : memref<322560xi32, #tpu.memory_space<hbm>> -> memref<80xi32, #tpu.memory_space<hbm>>
          tpu.wait_dma2 semaphore(%run_scoped3A : memref<!tpu.dma_semaphore, #tpu.memory_space<semaphore_mem>>) src(%dma_wait3A_119 : memref<80xi32, #tpu.memory_space<hbm>>) dst(%arg11 : memref<80xi32, #tpu.memory_space<vmem>>)
          tpu.yield
        }) : () -> ()
        %dma_start3A_110 = arith.constant 0 : i32
        %dma_start3A_111 = arith.constant 0 : i32
        %dma_start3A_112 = tpu.memref_slice %arg2[%dma_start3A_110, %dma_start3A_111] : memref<10000x128xf32, #tpu.memory_space<hbm>> -> memref<10000x128xf32, #tpu.memory_space<hbm>>
        tpu.enqueue_indirect_dma source(%dma_start3A_112 : memref<10000x128xf32, #tpu.memory_space<hbm>>) target(%arg14 : memref<80x128xf32, #tpu.memory_space<vmem>>) offsets(%arg10 : memref<80xi32, #tpu.memory_space<vmem>>) semaphore(%arg18 : memref<!tpu.dma_semaphore, #tpu.memory_space<semaphore_mem>>)
        %dma_start3A_113 = arith.constant 0 : i32
        %dma_start3A_114 = arith.constant 0 : i32
        %dma_start3A_115 = tpu.memref_slice %arg2[%dma_start3A_113, %dma_start3A_114] : memref<10000x128xf32, #tpu.memory_space<hbm>> -> memref<10000x128xf32, #tpu.memory_space<hbm>>
        tpu.enqueue_indirect_dma source(%dma_start3A_115 : memref<10000x128xf32, #tpu.memory_space<hbm>>) target(%arg15 : memref<80x128xf32, #tpu.memory_space<vmem>>) offsets(%arg11 : memref<80xi32, #tpu.memory_space<vmem>>) semaphore(%arg18 : memref<!tpu.dma_semaphore, #tpu.memory_space<semaphore_mem>>)
      } else {
      }
    }
    %scan3A_23 = arith.constant 63 : i32
    %dma_wait3A = arith.constant 0 : i32
    %dma_wait3A_24 = arith.constant 0 : i32
    %dma_wait3A_25 = tpu.memref_slice %arg16[%dma_wait3A, %dma_wait3A_24] : memref<10240x128xf32, #tpu.memory_space<vmem_shared>> -> memref<10240x128xf32, #tpu.memory_space<vmem_shared>>
    tpu.wait_indirect_dma semaphore(%arg19 : memref<!tpu.dma_semaphore, #tpu.memory_space<semaphore_mem>>) src(%arg12 : memref<80x128xf32, #tpu.memory_space<vmem>>) dst(%dma_wait3A_25 : memref<10240x128xf32, #tpu.memory_space<vmem_shared>>)
    %dma_wait3A_26 = arith.constant 0 : i32
    %dma_wait3A_27 = arith.constant 0 : i32
    %dma_wait3A_28 = tpu.memref_slice %arg16[%dma_wait3A_26, %dma_wait3A_27] : memref<10240x128xf32, #tpu.memory_space<vmem_shared>> -> memref<10240x128xf32, #tpu.memory_space<vmem_shared>>
    tpu.wait_indirect_dma semaphore(%arg19 : memref<!tpu.dma_semaphore, #tpu.memory_space<semaphore_mem>>) src(%arg13 : memref<80x128xf32, #tpu.memory_space<vmem>>) dst(%dma_wait3A_28 : memref<10240x128xf32, #tpu.memory_space<vmem_shared>>)
    %dma_wait3A_29 = arith.constant 0 : i32
    %dma_wait3A_30 = arith.constant 0 : i32
    %dma_wait3A_31 = tpu.memref_slice %arg16[%dma_wait3A_29, %dma_wait3A_30] : memref<10240x128xf32, #tpu.memory_space<vmem_shared>> -> memref<10240x128xf32, #tpu.memory_space<vmem_shared>>
    tpu.wait_indirect_dma semaphore(%arg20 : memref<!tpu.dma_semaphore, #tpu.memory_space<semaphore_mem>>) src(%arg14 : memref<80x128xf32, #tpu.memory_space<vmem>>) dst(%dma_wait3A_31 : memref<10240x128xf32, #tpu.memory_space<vmem_shared>>)
    %dma_wait3A_32 = arith.constant 0 : i32
    %dma_wait3A_33 = arith.constant 0 : i32
    %dma_wait3A_34 = tpu.memref_slice %arg16[%dma_wait3A_32, %dma_wait3A_33] : memref<10240x128xf32, #tpu.memory_space<vmem_shared>> -> memref<10240x128xf32, #tpu.memory_space<vmem_shared>>
    tpu.wait_indirect_dma semaphore(%arg20 : memref<!tpu.dma_semaphore, #tpu.memory_space<semaphore_mem>>) src(%arg15 : memref<80x128xf32, #tpu.memory_space<vmem>>) dst(%dma_wait3A_34 : memref<10240x128xf32, #tpu.memory_space<vmem_shared>>)
    %barrier3A_35 = arith.constant 0 : index
    tpu.barrier barrier_id(%barrier3A_35)
    %eq3A = arith.constant 0 : i32
    %eq3A_36 = arith.cmpi eq, %arg0, %eq3A : i32
    %convert_element_type3A = arith.extui %eq3A_36 : i1 to i32
    %cond3A = arith.constant 0 : i32
    %cond3A_37 = arith.cmpi ne, %convert_element_type3A, %cond3A : i32
    scf.if %cond3A_37 {
      "tpu.region"() ({
        %run_scoped3A = tpu.sem_alloc : memref<!tpu.dma_semaphore, #tpu.memory_space<semaphore_mem>>
        %dma_start3A_43 = arith.constant 0 : i32
        %dma_start3A_44 = tpu.memref_slice %arg6[%mul3A_0, %dma_start3A_43] : memref<10240x128xf32, #tpu.memory_space<hbm>> -> memref<640x128xf32, #tpu.memory_space<hbm>>
        %dma_start3A_45 = arith.constant 0 : i32
        %dma_start3A_46 = tpu.memref_slice %arg16[%mul3A_0, %dma_start3A_45] : memref<10240x128xf32, #tpu.memory_space<vmem_shared>> -> memref<640x128xf32, #tpu.memory_space<vmem_shared>>
        tpu.enqueue_dma source(%dma_start3A_46 : memref<640x128xf32, #tpu.memory_space<vmem_shared>>) target(%dma_start3A_44 : memref<640x128xf32, #tpu.memory_space<hbm>>) target_semaphore(%run_scoped3A : memref<!tpu.dma_semaphore, #tpu.memory_space<semaphore_mem>>)
        %dma_wait3A_47 = arith.constant 0 : i32
        %dma_wait3A_48 = tpu.memref_slice %arg6[%mul3A_0, %dma_wait3A_47] : memref<10240x128xf32, #tpu.memory_space<hbm>> -> memref<640x128xf32, #tpu.memory_space<hbm>>
        %dma_wait3A_49 = arith.constant 0 : i32
        %dma_wait3A_50 = tpu.memref_slice %arg16[%mul3A_0, %dma_wait3A_49] : memref<10240x128xf32, #tpu.memory_space<vmem_shared>> -> memref<640x128xf32, #tpu.memory_space<vmem_shared>>
        tpu.wait_dma2 semaphore(%run_scoped3A : memref<!tpu.dma_semaphore, #tpu.memory_space<semaphore_mem>>) src(%dma_wait3A_50 : memref<640x128xf32, #tpu.memory_space<vmem_shared>>) dst(%dma_wait3A_48 : memref<640x128xf32, #tpu.memory_space<hbm>>)
        tpu.yield
      }) : () -> ()
    } else {
    }
    %eq3A_38 = arith.constant 1 : i32
    %eq3A_39 = arith.cmpi eq, %arg0, %eq3A_38 : i32
    %convert_element_type3A_40 = arith.extui %eq3A_39 : i1 to i32
    %cond3A_41 = arith.constant 0 : i32
    %cond3A_42 = arith.cmpi ne, %convert_element_type3A_40, %cond3A_41 : i32
    scf.if %cond3A_42 {
      "tpu.region"() ({
        %run_scoped3A = tpu.sem_alloc : memref<!tpu.dma_semaphore, #tpu.memory_space<semaphore_mem>>
        %dma_start3A_43 = arith.constant 0 : i32
        %dma_start3A_44 = tpu.memref_slice %arg7[%mul3A_0, %dma_start3A_43] : memref<10240x128xf32, #tpu.memory_space<hbm>> -> memref<640x128xf32, #tpu.memory_space<hbm>>
        %dma_start3A_45 = arith.constant 0 : i32
        %dma_start3A_46 = tpu.memref_slice %arg16[%mul3A_0, %dma_start3A_45] : memref<10240x128xf32, #tpu.memory_space<vmem_shared>> -> memref<640x128xf32, #tpu.memory_space<vmem_shared>>
        tpu.enqueue_dma source(%dma_start3A_46 : memref<640x128xf32, #tpu.memory_space<vmem_shared>>) target(%dma_start3A_44 : memref<640x128xf32, #tpu.memory_space<hbm>>) target_semaphore(%run_scoped3A : memref<!tpu.dma_semaphore, #tpu.memory_space<semaphore_mem>>)
        %dma_wait3A_47 = arith.constant 0 : i32
        %dma_wait3A_48 = tpu.memref_slice %arg7[%mul3A_0, %dma_wait3A_47] : memref<10240x128xf32, #tpu.memory_space<hbm>> -> memref<640x128xf32, #tpu.memory_space<hbm>>
        %dma_wait3A_49 = arith.constant 0 : i32
        %dma_wait3A_50 = tpu.memref_slice %arg16[%mul3A_0, %dma_wait3A_49] : memref<10240x128xf32, #tpu.memory_space<vmem_shared>> -> memref<640x128xf32, #tpu.memory_space<vmem_shared>>
        tpu.wait_dma2 semaphore(%run_scoped3A : memref<!tpu.dma_semaphore, #tpu.memory_space<semaphore_mem>>) src(%dma_wait3A_50 : memref<640x128xf32, #tpu.memory_space<vmem_shared>>) dst(%dma_wait3A_48 : memref<640x128xf32, #tpu.memory_space<hbm>>)
        tpu.yield
      }) : () -> ()
    } else {
    }
    return
  }
}

module attributes {stable_mosaic.version = 14 : i64} {
  func.func @_prepass_body(%arg0: i32, %arg1: memref<1000x128xf32, #tpu.memory_space<vmem>>, %arg2: memref<1000x1xf32, #tpu.memory_space<vmem>>, %arg3: memref<1000x128xf32, #tpu.memory_space<vmem>>) attributes {dimension_semantics = [#tpu.dimension_semantics<arbitrary>], iteration_bounds = array<i64: 10>, scalar_prefetch = 0 : i64, scratch_operands = 0 : i64, tpu.core_type = #tpu.core_type<tc>, window_params = [{transform_indices = @transform_0, window_bounds = array<i64: 1000, 128>}, {transform_indices = @transform_1, window_bounds = array<i64: 1000, 1>}, {transform_indices = @transform_2, window_bounds = array<i64: 1000, 128>}]} {
    %get3A = arith.constant 0 : index
    %get3A_0 = arith.constant 0 : index
    %get3A_1 = vector.load %arg1[%get3A, %get3A_0] : memref<1000x128xf32, #tpu.memory_space<vmem>>, vector<1000x128xf32>
    %get3A_2 = arith.constant 0 : index
    %get3A_3 = arith.constant 0 : index
    %get3A_4 = vector.load %arg2[%get3A_2, %get3A_3] : memref<1000x1xf32, #tpu.memory_space<vmem>>, vector<1000x1xf32>
    %mul3A = vector.broadcast %get3A_4 : vector<1000x1xf32> to vector<1000x128xf32>
    %mul3A_5 = arith.mulf %get3A_1, %mul3A : vector<1000x128xf32>
    %swap3A = arith.constant 0 : index
    %swap3A_6 = arith.constant 0 : index
    %swap3A_7 = vector.load %arg3[%swap3A, %swap3A_6] : memref<1000x128xf32, #tpu.memory_space<vmem>>, vector<1000x128xf32>
    tpu.vector_store %arg3[%swap3A, %swap3A_6], %mul3A_5 {strides = array<i32>} : memref<1000x128xf32, #tpu.memory_space<vmem>>, vector<1000x128xf32>,
    return
  }
  func.func @transform_0(%arg0: i32) -> (i32, i32) {
    %c0_i32 = arith.constant 0 : i32
    %c0_i32_0 = arith.constant 0 : i32
    return %arg0, %c0_i32 : i32, i32
  }
  func.func @transform_1(%arg0: i32) -> (i32, i32) {
    %c0_i32 = arith.constant 0 : i32
    %c0_i32_0 = arith.constant 0 : i32
    return %arg0, %c0_i32 : i32, i32
  }
  func.func @transform_2(%arg0: i32) -> (i32, i32) {
    %c0_i32 = arith.constant 0 : i32
    %c0_i32_0 = arith.constant 0 : i32
    return %arg0, %c0_i32 : i32, i32
  }
}

module attributes {stable_mosaic.version = 14 : i64} {
  func.func @_postpass_body(%arg0: i32, %arg1: memref<1000x128xf32, #tpu.memory_space<vmem>>, %arg2: memref<1000x1xf32, #tpu.memory_space<vmem>>, %arg3: memref<1000x128xf32, #tpu.memory_space<vmem>>, %arg4: memref<1000x128xf32, #tpu.memory_space<vmem>>, %arg5: memref<1000x128xf32, #tpu.memory_space<vmem>>) attributes {dimension_semantics = [#tpu.dimension_semantics<arbitrary>], iteration_bounds = array<i64: 10>, scalar_prefetch = 0 : i64, scratch_operands = 0 : i64, tpu.core_type = #tpu.core_type<tc>, window_params = [{transform_indices = @transform_0, window_bounds = array<i64: 1000, 128>}, {transform_indices = @transform_1, window_bounds = array<i64: 1000, 1>}, {transform_indices = @transform_2, window_bounds = array<i64: 1000, 128>}, {transform_indices = @transform_3, window_bounds = array<i64: 1000, 128>}, {transform_indices = @transform_4, window_bounds = array<i64: 1000, 128>}]} {
    %get3A = arith.constant 0 : index
    %get3A_0 = arith.constant 0 : index
    %get3A_1 = vector.load %arg3[%get3A, %get3A_0] : memref<1000x128xf32, #tpu.memory_space<vmem>>, vector<1000x128xf32>
    %get3A_2 = arith.constant 0 : index
    %get3A_3 = arith.constant 0 : index
    %get3A_4 = vector.load %arg4[%get3A_2, %get3A_3] : memref<1000x128xf32, #tpu.memory_space<vmem>>, vector<1000x128xf32>
    %add3A = arith.addf %get3A_1, %get3A_4 : vector<1000x128xf32>
    %get3A_5 = arith.constant 0 : index
    %get3A_6 = arith.constant 0 : index
    %get3A_7 = vector.load %arg1[%get3A_5, %get3A_6] : memref<1000x128xf32, #tpu.memory_space<vmem>>, vector<1000x128xf32>
    %get3A_8 = arith.constant 0 : index
    %get3A_9 = arith.constant 0 : index
    %get3A_10 = vector.load %arg2[%get3A_8, %get3A_9] : memref<1000x1xf32, #tpu.memory_space<vmem>>, vector<1000x1xf32>
    %mul3A = arith.constant 2.000000e-05 : f32
    %mul3A_11 = vector.broadcast %mul3A : f32 to vector<1000x1xf32>
    %mul3A_12 = arith.mulf %mul3A_11, %get3A_10 : vector<1000x1xf32>
    %mul3A_13 = vector.broadcast %mul3A_12 : vector<1000x1xf32> to vector<1000x128xf32>
    %mul3A_14 = arith.mulf %mul3A_13, %add3A : vector<1000x128xf32>
    %sub3A = arith.subf %get3A_7, %mul3A_14 : vector<1000x128xf32>
    %swap3A = arith.constant 0 : index
    %swap3A_15 = arith.constant 0 : index
    %swap3A_16 = vector.load %arg5[%swap3A, %swap3A_15] : memref<1000x128xf32, #tpu.memory_space<vmem>>, vector<1000x128xf32>
    tpu.vector_store %arg5[%swap3A, %swap3A_15], %sub3A {strides = array<i32>} : memref<1000x128xf32, #tpu.memory_space<vmem>>, vector<1000x128xf32>,
    return
  }
  func.func @transform_0(%arg0: i32) -> (i32, i32) {
    %c0_i32 = arith.constant 0 : i32
    %c0_i32_0 = arith.constant 0 : i32
    return %arg0, %c0_i32 : i32, i32
  }
  func.func @transform_1(%arg0: i32) -> (i32, i32) {
    %c0_i32 = arith.constant 0 : i32
    %c0_i32_0 = arith.constant 0 : i32
    return %arg0, %c0_i32 : i32, i32
  }
  func.func @transform_2(%arg0: i32) -> (i32, i32) {
    %c0_i32 = arith.constant 0 : i32
    %c0_i32_0 = arith.constant 0 : i32
    return %arg0, %c0_i32 : i32, i32
  }
  func.func @transform_3(%arg0: i32) -> (i32, i32) {
    %c0_i32 = arith.constant 0 : i32
    %c0_i32_0 = arith.constant 0 : i32
    return %arg0, %c0_i32 : i32, i32
  }
  func.func @transform_4(%arg0: i32) -> (i32, i32) {
    %c0_i32 = arith.constant 0 : i32
    %c0_i32_0 = arith.constant 0 : i32
    return %arg0, %c0_i32 : i32, i32
  }
}

</mosaic_0001>

<sc_bundles>
// kernel: kernel.5.cloned.1.call-start
scs
__scs_entry_jumppad:
0x0: {  	(pc) =	sbr.rel $0x88, $3  }
0x1: {  	(tag) =	ssettag $0x0;
	lr =	simm.s32 $0x1  }
0x2: {  	[smem:$0x3F9E] =	sst lr;
	_ =	strace $0xD0000000  }
0x3: {  	_ = 	snop  }
0x4: {  	_ = 	snop  }
0x5: {  	_ = 	snop  }
0x6: {  	_ = 	snop  }
0x7: {  	_ = 	snop  }
__scs_overlays_trampoline_lowered:
0x8: {  	[smem:$0x3FAD] =	sst s0  }
0x9: {  	[smem:$0x3FAE] =	sst s1  }
0xa: {  	[smem:$0x3FAF] =	sst s2  }
0xb: {  	[smem:$0x3FB0] =	sst s3  }
0xc: {  	[smem:$0x3FB1] =	sst s4  }
0xd: {  	[smem:$0x3FB2] =	sst s5  }
0xe: {  	[smem:$0x3FB3] =	sst s6  }
0xf: {  	[smem:$0x3FB4] =	sst s7  }
0x10: {  	[smem:$0x3FB5] =	sst s8  }
0x11: {  	[smem:$0x3FB6] =	sst s9;
	s0 =	simm.s32 @!p0 $0x0  }
0x12: {  	s1 =	sld [smem:$0x3F9C];
	s0 =	simm.s32 @p0 $0x1  }
0x13: {  	[smem:$0x3FB7] =	sst s0;
	s0 =	simm.s32 @!p1 $0x0  }
0x14: {  	s2 =	sld [smem:$0x3F9B];
	s0 =	simm.s32 @p1 $0x1  }
0x15: {  	[smem:$0x3FB8] =	sst s0;
	s0 =	simm.s32 @!p2 $0x0  }
0x16: {  	s3 =	sld [smem:$0x3FDB];
	s0 =	simm.s32 @p2 $0x1  }
0x17: {  	s4 =	simm.s32 $0x1BF5;
	[smem:$0x3FBA] =	sst s0  }
0x18: {  	s0 =	sld [smem:$0x3F9D];
	_ =	swait.ge [sflag:s4], $0x0  }
0x19: {  	s7 =	sld [smem:$0x3F9E]  }
0x1a: {  	s8 =	sadd.s32 $0xFFFFE003, lr  }
0x1b: {  	s9 =	sadd.s32 $0xFFFFFEF7, lr;
	s5 =	simm.s32 $0xFFFFFFFF;
	p2 =	slt.u32 s8, $0xFFFFF086  }
0x1c: {  	p1 =	slt.u32 s9, $0xF7A;
	s5 =	simm.s32 @!p2 $0x0  }
0x1d: {  	s5 =	simm.s32 @p1 $0x1;
	p0 =	seq.s32 s7, s2  }
0x1e: {  	s7 =	smul.u32 @!p0 $0xF7A, s2;
	p2 =	seq.s32 @!p0 s5, $0x0  }
0x1f: {  	s9 =	smul.u32 $0xF7A, s1;
	s8 =	simm.s32 @!p0 $0x1BF5;
	p2 =	por !p2, p0  }
0x20: {  	[sflag:s8] =	ssyncset.s32 @!p0 $0xFFFFF086;
	s6 =	sadd.s32 @!p0 s3, s7;
	s7 =	simm.s32 @!p0 $0x108  }
0x21: {  	s3 =	sadd.s32 s3, s9;
	s6 =	sadd.s32 @!p0 $0x88, s6;
	s7 =	simm.s32 @p2 $0x1082  }
0x22: {  	[simem:s7], [sflag:s8] =	dma.local @!p0 [hbm:s6], $0xF7A  }
0x23: {  	s9 =	sor.u32 $0xD0000000, s2;
	s6 =	simm.s32 $0x108;
	_ =	swait.ge @!p0 [sflag:s8], $0x0  }
0x24: {  	s3 =	sadd.s32 $0x88, s3;
	s6 =	simm.s32 @!p1 $0x1082;
	[sflag:s4] =	ssyncset.s32 $0xFFFFF086  }
0x25: {  	[simem:s6], [sflag:s4] =	dma.local [hbm:s3], $0xF7A  }
0x26: {  	[smem:$0x3F9E] =	sst s1;
	(tag) =	ssettag s2;
	_ =	strace s9  }
0x27: {  	s1 =	sld [smem:$0x3FAE]  }
0x28: {  	s2 =	sld [smem:$0x3FAF]  }
0x29: {  	s4 =	sld [smem:$0x3FB1]  }
0x2a: {  	p0 =	seq.s32 s5, $0x0;
	s5 =	sld [smem:$0x3FB2]  }
0x2b: {  	s6 =	sld [smem:$0x3FB3]  }
0x2c: {  	s7 =	sld [smem:$0x3FB4]  }
0x2d: {  	s3 =	simm.s32 $0x108;
	s8 =	sld [smem:$0x3FB5]  }
0x2e: {  	s3 =	simm.s32 @!p0 $0x1082;
	s9 =	sld [smem:$0x3FB6]  }
0x2f: {  	lr =	sadd.s32 s0, s3;
	s0 =	sld [smem:$0x3FAD]  }
0x30: {  	s3 =	sld [smem:$0x3FB0]  }
0x31: {  	[smem:$0x3FB9] =	sst s10  }
0x32: {  	s10 =	sld [smem:$0x3FB7];
	_ =	sdelay $0x3  }
0x33: {  	p0 =	seq.s32 s10, $0x1;
	s10 =	sld [smem:$0x3FB9];
	_ =	sdelay $0x3  }
0x34: {  	[smem:$0x3FB9] =	sst s10  }
0x35: {  	s10 =	sld [smem:$0x3FB8];
	_ =	sdelay $0x3  }
0x36: {  	p1 =	seq.s32 s10, $0x1;
	s10 =	sld [smem:$0x3FB9];
	_ =	sdelay $0x3  }
0x37: {  	[smem:$0x3FB9] =	sst s10  }
0x38: {  	s10 =	sld [smem:$0x3FBA]  }
0x39: {  	_ = 	snop;
	(pc) =	sbr.ind lr, $3  }
0x3a: {  	_ = 	snop  }
0x3b: {  	_ = 	snop  }
0x3c: {  	p2 =	seq.s32 s10, $0x1;
	s10 =	sld [smem:$0x3FB9]  }
0x3d: {  	_ =	shalt  }
0x3e: {  	_ =	shalt  }
0x3f: {  	_ =	shalt  }
0x40: {  	_ =	shalt  }
0x41: {  	_ =	shalt  }
0x42: {  	_ =	shalt  }
0x43: {  	_ =	shalt  }
0x44: {  	_ =	shalt  }
0x45: {  	_ =	shalt  }
0x46: {  	_ =	shalt  }
0x47: {  	_ =	shalt  }
0x48: {  	_ =	shalt  }
0x49: {  	_ =	shalt  }
0x4a: {  	_ =	shalt  }
0x4b: {  	_ =	shalt  }
0x4c: {  	_ =	shalt  }
0x4d: {  	_ =	shalt  }
0x4e: {  	_ =	shalt  }
0x4f: {  	_ =	shalt  }
0x50: {  	_ =	shalt  }
0x51: {  	_ =	shalt  }
0x52: {  	_ =	shalt  }
0x53: {  	_ =	shalt  }
0x54: {  	_ =	shalt  }
0x55: {  	_ =	shalt  }
0x56: {  	_ =	shalt  }
0x57: {  	_ =	shalt  }
0x58: {  	_ =	shalt  }
0x59: {  	_ =	shalt  }
0x5a: {  	_ =	shalt  }
0x5b: {  	_ =	shalt  }
0x5c: {  	_ =	shalt  }
0x5d: {  	_ =	shalt  }
0x5e: {  	_ =	shalt  }
0x5f: {  	_ =	shalt  }
0x60: {  	_ =	shalt  }
0x61: {  	_ =	shalt  }
0x62: {  	_ =	shalt  }
0x63: {  	_ =	shalt  }
0x64: {  	_ =	shalt  }
0x65: {  	_ =	shalt  }
0x66: {  	_ =	shalt  }
0x67: {  	_ =	shalt  }
0x68: {  	_ =	shalt  }
0x69: {  	_ =	shalt  }
0x6a: {  	_ =	shalt  }
0x6b: {  	_ =	shalt  }
0x6c: {  	_ =	shalt  }
0x6d: {  	_ =	shalt  }
0x6e: {  	_ =	shalt  }
0x6f: {  	_ =	shalt  }
0x70: {  	_ =	shalt  }
0x71: {  	_ =	shalt  }
0x72: {  	_ =	shalt  }
0x73: {  	_ =	shalt  }
0x74: {  	_ =	shalt  }
0x75: {  	_ =	shalt  }
0x76: {  	_ =	shalt  }
0x77: {  	_ =	shalt  }
0x78: {  	_ =	shalt  }
0x79: {  	_ =	shalt  }
0x7a: {  	_ =	shalt  }
0x7b: {  	_ =	shalt  }
0x7c: {  	_ =	shalt  }
0x7d: {  	_ =	shalt  }
0x7e: {  	_ =	shalt  }
0x7f: {  	_ =	shalt  }
0x80: {  	_ =	shalt  }
0x81: {  	_ =	shalt  }
0x82: {  	_ =	shalt  }
0x83: {  	_ =	shalt  }
0x84: {  	_ =	shalt  }
0x85: {  	_ =	shalt  }
0x86: {  	_ =	shalt  }
0x87: {  	_ =	shalt  }
.Lfunc_end0:
.L_simem_size_0:
called_computation_lowered:
.L_overlay_start_0:
0x88: {  	s2 =	sld [smem:$0x3FD9]  }
0x89: {  	s3 =	sld [smem:$0x3FFE];
	_ =	sdelay $0x1  }
0x8a: {  	s1 =	srdreg.scid  }
0x8b: {  	s0 =	sand.u32 $0x1, s1  }
0x8c: {  	s17 =	sshll.u32 s0, $0xA;
	s2 =	sadd.s32 s3, s2  }
0x8d: {  	s2 =	sadd.s32 s2, s17  }
0x8e: {  	[smem:$0x3FC5] =	sst s2  }
0x8f: {  	_ = 	snop  }
0x90: {  	s2 =	sld [smem:$0x3FD0];
	(tm) =	ssettm $0x1  }
0x91: {  	s18 =	sld [smem:$0x3FFB];
	_ =	sdelay $0x3  }
0x92: {  	_ =	strace s18  }
0x93: {  	s3 =	sld [smem:$0x3FFC];
	_ =	sdelay $0x3  }
0x94: {  	_ =	strace s3  }
0x95: {  	s3 =	sld [smem:$0x3FFD];
	_ =	sdelay $0x3  }
0x96: {  	_ =	strace s3  }
0x97: {  	_ =	strace $0x8FFFFFFF  }
0x98: {  	s19 =	sld [smem:$0x3FDB];
	_ =	sdelay $0x1  }
0x99: {  	s4 =	simm.s32 $_scs_section_size  }
0x9a: {  	s5 =	simm.s32 $_size__tile_overlayer_lowered;
	s6 =	simm.s32 $_tile_overlayer_lowered  }
0x9b: {  	s22 =	simm.s32 $0x1BFF;
	s21 =	sshll.u32 s6, $0x1;
	s3 =	sadd.s32 s4, s19  }
0x9c: {  	s7 =	simm.s32 $0x0;
	s20 =	sshll.u32 s5, $0x1;
	s5 =	sadd.s32 s21, s3  }
0x9d: {  	[timem:s7], [sflag:s22] =	dma.local [hbm:s5], s20  }
0x9e: {  	_ =	swait.ge [sflag:s22], s20  }
0x9f: {  	s4 =	ssub.s32 $0x0, s20;
	[sflag:s22] =	ssyncset.done $0x0  }
0xa0: {  	[sflag:s22] =	ssyncadd.s32 s4;
	_ =	sdelay $0x1  }
0xa1: {  	s23 =	simm.s32 $0x1B8B  }
0xa2: {  	_ =	swait.ge [sflag:s23], $0x1  }
0xa3: {  	[sflag:s23] =	ssyncset.done $0x0  }
0xa4: {  	s25 =	simm.s32 $0x1B8E;
	s24 =	sld [smem:$0x3FFE];
	[sflag:s23] =	ssyncadd.s32 $0xFFFFFFFF  }
0xa5: {  	s26 =	simm.s32 $execute0_lowered;
	[smem:$0x3FD2] =	sst s25  }
0xa6: {  	s5 =	sshll.u32 s26, $0x1;
	_ =	strace $0x80000046;
	[dreg:$0x1] =	wrdreg $0xFFFFFFFF  }
0xa7: {  	s28 =	simm.s32 $_size_execute0_lowered;
	s3 =	sadd.s32 s3, s5;
	[dreg:$0x0] =	wrdreg $0x0  }
0xa8: {  	s5 =	sshll.u32 s28, $0x1;
	[dreg:$0x2] =	wrdreg s3  }
0xa9: {  	[dreg:$0x3] =	wrdreg s5  }
0xaa: {  	[dreg:$0x4] =	wrdreg $0xC0  }
0xab: {  	_ =	task [dreg:s7], $0x5FFFF  }
0xac: {  	[dreg:$0x1] =	wrdreg $0xFFFFFFFF  }
0xad: {  	[dreg:$0x0] =	wrdreg $0x60  }
0xae: {  	[dreg:$0x2] =	wrdreg s2  }
0xaf: {  	[dreg:$0x3] =	wrdreg s24  }
0xb0: {  	[dreg:$0x4] =	wrdreg $0xA2000  }
0xb1: {  	[dreg:$0x5] =	wrdreg $0x9  }
0xb2: {  	_ =	task.clear_ibuf [dreg:s7], $0x6FFFF;
	_ =	strace $0x90000046  }
0xb3: {  	s29 =	simm.s32 $0x9;
	_ =	strace $0x80000048  }
0xb4: {  	_ =	swait.ge [sflag:s29], $0x1  }
0xb5: {  	[sflag:s29] =	ssyncadd.s32 $0xFFFFFFFF  }
0xb6: {  	_ =	strace $0x90000048  }
0xb7: {  	_ =	sfence  }
0xb8: {  	s30 =	sld [smem:$0x0];
	_ =	sdelay $0x2  }
0xb9: {  	s31 =	sshll.u32 s1, $0xD;
	s1 =	sshrl.u32 s1, $0x2  }
0xba: {  	s3 =	sand.u32 $0x4000, s31;
	s1 =	sadd.s32 s1, s30  }
0xbb: {  	s0 =	sor.u32 s3, s0;
	s1 =	sshll.u32 s1, $0x11  }
0xbc: {  	s0 =	sor.u32 s1, s0  }
0xbd: {  	s0 =	sadd.s32 $0x8F2B, s0  }
0xbe: {  	[sflag:s0] =	ssyncadd.remote.s32 $0x1  }
0xbf: {  	_ =	sfence.sel $0xFFFF  }
0xc0: {  	[dreg:$0x0] =	wrdreg $0xFFFFFFFF;
	(pc) =	sbr.abs _section_cstart, $3  }
0xc1: {  	[dreg:$0x1] =	wrdreg $0xFFFFFFFF  }
0xc2: {  	_ =	task.clear_ibuf [dreg:s7], $0x2FFFF;
	_ =	strace $0x9FFFFFFF  }
0xc3: {  	(tm) =	ssettm $0x7FFFFFFF  }
tec
execute0_lowered:
.L_overlay_start_1:
0x0: {  	(tag) =	ssettag $0x1  }
0x1: {  	s1 =	rddreg [dreg:$0x0]  }
0x2: {  	s0 =	rddreg [dreg:$0x1]  }
0x3: {  	s2 =	rddreg [dreg:$0x2]  }
0x4: {  	s4 =	simm.s32 $0x0;
	s11 =	stileid.u32;
	s3 =	srdreg.scid  }
0x5: {  	s18 =	simm.s32 $0x5;
	s19 =	simm.s32 $0x80;
	s20 =	simm.s32 $0x50  }
0x6: {  	s28 =	simm.s32 $0x1;
	s29 =	simm.s32 $0x2;
	s30 =	simm.s32 $0x3  }
0x7: {  	s31 =	simm.s32 $0x4;
	[smem:$0x7FF] =	sst s4;
	s5 =	sadd.s32 $0xAA00, s0  }
0x8: {  	s7 =	smul.u32 $0x2800, s11;
	s3 =	sand.u32 $0x1, s3;
	s6 =	sadd.s32 $0xC00, s0  }
0x9: {  	s8 =	smul.u32 $0x50000, s11;
	s22 =	sshll.u32 s11, $0x6;
	_ =	strace $0x80000047  }
0xa: {  	s9 =	sshll.u32 s3, $0x4;
	s21 =	ssub.s32 $0x2, s3;
	p0 =	seq.s32 s3, $0x1  }
0xb: {  	s3 =	simm.s32 $0x64800;
	s0 =	sadd.s32 s7, s0;
	s9 =	sor.u32 s11, s9  }
0xc: {  	s10 =	sshrl.u32 s21, $0x1;
	s8 =	sshrl.u32 s8, $0x2;
	s3 =	simm.s32 @!p0 $0x3C800  }
0xd: {  	s9 =	smul.u32 $0x2760, s9;
	s7 =	ssub.s32 s21, s10;
	s17 =	sadd.s32 s8, s2  }
0xe: {  	s23 =	sadd.s32 $0x14800, s0;
	s8 =	sor.u32 $0x1C05, s22;
	s16 =	sadd.s32 s3, s0  }
0xf: {  	s21 =	simm.s32 $0x200;
	s22 =	simm.s32 $0x2A00;
	s0 =	simm.s32 $0x0  }
0x10: {  	[dreg:$0x4] =	wrdreg s23;
	s15 =	smax.u32 s7, $0x1;
	s17 =	sshrl.u32 s17, $0x3  }
.Ltmp0:
0x11: {  	s23 =	simm.s32 $0x100;
	s24 =	sshrl.u32 s9, $0x3;
	(pc) =	sbr.rel .LBB2_1-.Ltmp0, $4  }
0x12: {  	s13 =	sadd.s32 $0xA0, s9;
	s14 =	sadd.s32 $0xF0, s9;
	s25 =	sadd.s32 s5, s24  }
0x13: {  	s26 =	sadd.s32 s6, s24;
	s12 =	sadd.s32 $0xA, s24;
	[dreg:$0x5] =	wrdreg s25  }
0x14: {  	s24 =	simm.s32 $0x180;
	[dreg:$0x6] =	wrdreg s26;
	s11 =	sadd.s32 s5, s12  }
0x15: {  	s12 =	sadd.s32 s6, s12;
	s25 =	simm.s32 $0x5200;
	s26 =	simm.s32 $0x7A00  }
.LBB2_8:
0x16: {  	_ =	swait.ge [sflag:s31], $0x2800  }
0x17: {  	[sflag:s31] =	ssyncset.done $0x0  }
0x18: {  	[sflag:s31] =	ssyncadd.s32 $0xFFFFD800  }
0x19: {  	_ =	swait.ge [sflag:s31], $0x2800  }
0x1a: {  	s0 =	sadd.s32 $0x1, s0;
	[sflag:s31] =	ssyncset.done $0x0  }
0x1b: {  	p0 =	sne.s32 s0, s15;
	[sflag:s31] =	ssyncadd.s32 $0xFFFFD800  }
.Ltmp1:
0x1c: {  	[bflag:$0x0] =	sbarrier.arrive $0xFFFF;
	(pc) =	sbr.rel @!p0 .LBB2_9-.Ltmp1, $4  }
0x1d: {  	[hbm:s16], [sflag:s8] =	dma.local [spmem:s17], $0x2800  }
0x1e: {  	_ =	swait.ge [sflag:s18], $0x2800  }
0x1f: {  	[sflag:s18] =	ssyncset.done $0x0  }
0x20: {  	[sflag:s18] =	ssyncadd.s32 $0xFFFFD800  }
.LBB2_1:
0x21: {  	s3 =	rddreg [dreg:$0x4]  }
0x22: {  	[spmem:s17], [sflag:s8] =	dma.local [hbm:s3], $0x2800  }
0x23: {  	_ =	swait.ge [sflag:s18], $0x2800  }
0x24: {  	[sflag:s18] =	ssyncset.done $0x0  }
0x25: {  	[sflag:s18] =	ssyncadd.s32 $0xFFFFD800  }
0x26: {  	[bflag:$0x0] =	sbarrier.arrive $0xFFFF  }
0x27: {  	s9 =	rddreg [dreg:$0x5]  }
0x28: {  	[tilespmem:s4], [sflag:$0x5] =	stream.linear.gather [hbm4b:s9+s4], $0x50, $0x38;
	[tilespmem:$0x1E200] =	vst v63  }
0x29: {  	_ =	swait.ge [sflag:s18], $0x50  }
0x2a: {  	[sflag:s18] =	ssyncset.done $0x0  }
0x2b: {  	s10 =	rddreg [dreg:$0x6];
	[sflag:s18] =	ssyncadd.s32 $0xFFFFFFB0  }
0x2c: {  	[tilespmem:s19], [sflag:$0x5] =	stream.linear.gather [hbm4b:s10+s4], $0x50, $0x38;
	[tilespmem:$0x1E200] =	vst v63  }
0x2d: {  	_ =	swait.ge [sflag:s18], $0x50  }
0x2e: {  	[sflag:s18] =	ssyncset.done $0x0  }
0x2f: {  	[sflag:s18] =	ssyncadd.s32 $0xFFFFFFB0  }
0x30: {  	[tilespmem:s21], [sflag:$0x1] =	stream.indirect.gather [hbm4b:s1+s20], $0x80, s4, s20, $0xb8;
	[tilespmem:$0x1E200] =	vst v63  }
0x31: {  	_ = 	snop  }
0x32: {  	[tilespmem:s22], [sflag:$0x1] =	stream.indirect.gather [hbm4b:s1+s20], $0x80, s19, s20, $0xb8;
	[tilespmem:$0x1E200] =	vst v63  }
0x33: {  	_ = 	snop  }
0x34: {  	[tilespmem:s23], [sflag:$0x5] =	stream.linear.gather [hbm4b:s11+s4], $0x50, $0x38;
	[tilespmem:$0x1E200] =	vst v63  }
0x35: {  	_ =	swait.ge [sflag:s18], $0x50  }
0x36: {  	[sflag:s18] =	ssyncset.done $0x0  }
0x37: {  	[sflag:s18] =	ssyncadd.s32 $0xFFFFFFB0  }
0x38: {  	[tilespmem:s24], [sflag:$0x5] =	stream.linear.gather [hbm4b:s12+s4], $0x50, $0x38;
	[tilespmem:$0x1E200] =	vst v63  }
0x39: {  	_ =	swait.ge [sflag:s18], $0x50  }
0x3a: {  	[sflag:s18] =	ssyncset.done $0x0  }
0x3b: {  	[sflag:s18] =	ssyncadd.s32 $0xFFFFFFB0  }
0x3c: {  	[tilespmem:s25], [sflag:$0x2] =	stream.indirect.gather [hbm4b:s1+s20], $0x80, s23, s20, $0xb8;
	[tilespmem:$0x1E200] =	vst v63  }
0x3d: {  	s3 =	simm.s32 $0x0  }
0x3e: {  	[tilespmem:s26], [sflag:$0x2] =	stream.indirect.gather [hbm4b:s1+s20], $0x80, s24, s20, $0xb8;
	[tilespmem:$0x1E200] =	vst v63  }
.LBB2_2:
0x3f: {  	_ =	swait.ge [sflag:s28], $0x2800  }
0x40: {  	[sflag:s28] =	ssyncset.done $0x0  }
0x41: {  	[sflag:s28] =	ssyncadd.s32 $0xFFFFD800  }
0x42: {  	_ =	swait.ge [sflag:s28], $0x2800  }
0x43: {  	[sflag:s28] =	ssyncset.done $0x0  }
0x44: {  	s7 =	simm.s32 $0x0;
	[sflag:s28] =	ssyncadd.s32 $0xFFFFD800  }
0x45: {  	v0 =	vld [tilespmem:s7+$0x200]  }
0x46: {  	v1 =	vld [tilespmem:s7+$0x2A00]  }
0x47: {  	v2 =	vld [tilespmem:s7+$0x210]  }
0x48: {  	v4 =	vld [tilespmem:s7+$0x2A10]  }
0x49: {  	v5 =	vld [tilespmem:s7+$0x220]  }
0x4a: {  	v6 =	vld [tilespmem:s7+$0x2A20]  }
0x4b: {  	v7 =	vld [tilespmem:s7+$0x230];
	v3 =	vsub.f32 v0, v1  }
0x4c: {  	v8 =	vld [tilespmem:s7+$0x2A30];
	v1 =	vsub.f32 v1, v0  }
0x4d: {  	v0 =	vld [tilespmem:s7+$0x240];
	v9 =	vsub.f32 v2, v4;
	[tilespmem:s7+$0x200] =	vst v3  }
0x4e: {  	v2 =	vsub.f32 v4, v2;
	[tilespmem:s7+$0x2A00] =	vst v1;
	v3 =	vld [tilespmem:s7+$0x2A40]  }
0x4f: {  	v4 =	vld [tilespmem:s7+$0x2A50];
	[tilespmem:s7+$0x210] =	vst v9;
	v9 =	vsub.f32 v5, v6  }
0x50: {  	v1 =	vld [tilespmem:s7+$0x250];
	[tilespmem:s7+$0x2A10] =	vst v2;
	v5 =	vsub.f32 v6, v5  }
0x51: {  	v2 =	vld [tilespmem:s7+$0x260];
	v6 =	vsub.f32 v7, v8;
	[tilespmem:s7+$0x220] =	vst v9  }
0x52: {  	v8 =	vsub.f32 v8, v7;
	[tilespmem:s7+$0x2A20] =	vst v5;
	v5 =	vld [tilespmem:s7+$0x2A60]  }
0x53: {  	s9 =	simm.s32 $0x200;
	[tilespmem:s7+$0x230] =	vst v6;
	v6 =	vld [tilespmem:s7+$0x270];
	v7 =	vsub.f32 v0, v3  }
.LBB2_3:
0x54: {  	s10 =	sshra.s32 s9, $0x2;
	p0 =	sne.s32 s9, $0x9E00;
	[tilespmem:s7+$0x2A30] =	vst v8;
	v0 =	vsub.f32 v3, v0;
	v3 =	vld [tilespmem:s7+$0x2A70]  }
0x55: {  	v8 =	vld [tilespmem:s10+$0x200];
	[tilespmem:s7+$0x240] =	vst v7;
	v7 =	vsub.f32 v1, v4  }
0x56: {  	v9 =	vld [tilespmem:s10+$0x2A00];
	[tilespmem:s7+$0x2A40] =	vst v0;
	v0 =	vsub.f32 v4, v1  }
0x57: {  	v1 =	vld [tilespmem:s10+$0x210];
	[tilespmem:s7+$0x250] =	vst v7;
	v4 =	vsub.f32 v2, v5  }
0x58: {  	v7 =	vld [tilespmem:s10+$0x2A10];
	[tilespmem:s7+$0x2A50] =	vst v0;
	v0 =	vsub.f32 v5, v2  }
0x59: {  	v2 =	vld [tilespmem:s10+$0x220];
	[tilespmem:s7+$0x260] =	vst v4;
	v4 =	vsub.f32 v6, v3;
	v3 =	vsub.f32 v3, v6  }
0x5a: {  	v5 =	vld [tilespmem:s10+$0x2A20];
	[tilespmem:s7+$0x2A60] =	vst v0  }
0x5b: {  	v0 =	vsub.f32 v8, v9;
	v6 =	vld [tilespmem:s10+$0x230];
	[tilespmem:s7+$0x2A70] =	vst v3  }
0x5c: {  	v3 =	vsub.f32 v9, v8;
	v8 =	vld [tilespmem:s10+$0x2A30];
	[tilespmem:s7+$0x270] =	vst v4;
	s7 =	smov.u32 s10  }
0x5d: {  	[tilespmem:s7+$0x200] =	vst v0;
	v4 =	vsub.f32 v1, v7;
	v0 =	vld [tilespmem:s7+$0x240]  }
0x5e: {  	v7 =	vsub.f32 v7, v1;
	[tilespmem:s7+$0x2A00] =	vst v3;
	v3 =	vld [tilespmem:s7+$0x2A40]  }
.Ltmp2:
0x5f: {  	[tilespmem:s7+$0x210] =	vst v4;
	v9 =	vsub.f32 v2, v5;
	v1 =	vld [tilespmem:s7+$0x250];
	(pc) =	sbr.rel @p0 .LBB2_3-.Ltmp2, $4  }
0x60: {  	v5 =	vsub.f32 v5, v2;
	[tilespmem:s7+$0x2A10] =	vst v7;
	v4 =	vld [tilespmem:s7+$0x2A50]  }
0x61: {  	[tilespmem:s7+$0x220] =	vst v9;
	v7 =	vsub.f32 v6, v8;
	v2 =	vld [tilespmem:s7+$0x260]  }
0x62: {  	v8 =	vsub.f32 v8, v6;
	[tilespmem:s7+$0x2A20] =	vst v5;
	v5 =	vld [tilespmem:s7+$0x2A60]  }
0x63: {  	s9 =	sadd.s32 $0x200, s9;
	[tilespmem:s7+$0x230] =	vst v7;
	v7 =	vsub.f32 v0, v3;
	v6 =	vld [tilespmem:s7+$0x270]  }
0x64: {  	[tilespmem:s7+$0x2A30] =	vst v8;
	v0 =	vsub.f32 v3, v0;
	v3 =	vld [tilespmem:s7+$0x2A70]  }
0x65: {  	[tilespmem:s7+$0x240] =	vst v7;
	v7 =	vsub.f32 v1, v4  }
0x66: {  	[tilespmem:s7+$0x2A40] =	vst v0;
	v0 =	vsub.f32 v4, v1  }
0x67: {  	[tilespmem:s7+$0x250] =	vst v7;
	v1 =	vsub.f32 v2, v5  }
0x68: {  	[tilespmem:s7+$0x2A50] =	vst v0;
	v0 =	vsub.f32 v5, v2  }
0x69: {  	[tilespmem:s7+$0x260] =	vst v1;
	v1 =	vsub.f32 v3, v6  }
0x6a: {  	v2 =	vsub.f32 v6, v3;
	[tilespmem:s7+$0x2A60] =	vst v0  }
0x6b: {  	[tilespmem:s7+$0x2A70] =	vst v1  }
0x6c: {  	s10 =	simm.s32 $0x0;
	[tilespmem:s7+$0x270] =	vst v2  }
0x6d: {  	[spmem:s2] =	stream.indirect.scatter.add.f32 [tilespmem:s21], [sflag:$0x3], $0x80, s10, s20, $0xb8;
	[tilespmem:$0x1E200] =	vst v63  }
0x6e: {  	_ = 	snop  }
0x6f: {  	[spmem:s2] =	stream.indirect.scatter.add.f32 [tilespmem:s22], [sflag:$0x3], $0x80, s19, s20, $0xb8;
	[tilespmem:$0x1E200] =	vst v63  }
0x70: {  	_ =	swait.ge [sflag:s29], $0x2800  }
0x71: {  	[sflag:s29] =	ssyncset.done $0x0  }
0x72: {  	[sflag:s29] =	ssyncadd.s32 $0xFFFFD800  }
0x73: {  	_ =	swait.ge [sflag:s29], $0x2800  }
0x74: {  	[sflag:s29] =	ssyncset.done $0x0  }
0x75: {  	s7 =	simm.s32 $0x0;
	[sflag:s29] =	ssyncadd.s32 $0xFFFFD800  }
0x76: {  	v0 =	vld [tilespmem:s7+$0x5200]  }
0x77: {  	v1 =	vld [tilespmem:s7+$0x7A00]  }
0x78: {  	v2 =	vld [tilespmem:s7+$0x5210]  }
0x79: {  	v4 =	vld [tilespmem:s7+$0x7A10]  }
0x7a: {  	v5 =	vld [tilespmem:s7+$0x5220]  }
0x7b: {  	v6 =	vld [tilespmem:s7+$0x7A20]  }
0x7c: {  	v7 =	vld [tilespmem:s7+$0x5230];
	v3 =	vsub.f32 v0, v1  }
0x7d: {  	v8 =	vld [tilespmem:s7+$0x7A30];
	v1 =	vsub.f32 v1, v0  }
0x7e: {  	v0 =	vld [tilespmem:s7+$0x5240];
	v9 =	vsub.f32 v2, v4;
	[tilespmem:s7+$0x5200] =	vst v3  }
0x7f: {  	v2 =	vsub.f32 v4, v2;
	[tilespmem:s7+$0x7A00] =	vst v1;
	v3 =	vld [tilespmem:s7+$0x7A40]  }
0x80: {  	v4 =	vld [tilespmem:s7+$0x7A50];
	[tilespmem:s7+$0x5210] =	vst v9;
	v9 =	vsub.f32 v5, v6  }
0x81: {  	v1 =	vld [tilespmem:s7+$0x5250];
	[tilespmem:s7+$0x7A10] =	vst v2;
	v5 =	vsub.f32 v6, v5  }
0x82: {  	v2 =	vld [tilespmem:s7+$0x5260];
	v6 =	vsub.f32 v7, v8;
	[tilespmem:s7+$0x5220] =	vst v9  }
0x83: {  	v8 =	vsub.f32 v8, v7;
	[tilespmem:s7+$0x7A20] =	vst v5;
	v5 =	vld [tilespmem:s7+$0x7A60]  }
0x84: {  	s9 =	simm.s32 $0x200;
	[tilespmem:s7+$0x5230] =	vst v6;
	v6 =	vld [tilespmem:s7+$0x5270];
	v7 =	vsub.f32 v0, v3  }
.LBB2_5:
0x85: {  	s10 =	sshra.s32 s9, $0x2;
	p0 =	sne.s32 s9, $0x9E00;
	[tilespmem:s7+$0x7A30] =	vst v8;
	v0 =	vsub.f32 v3, v0;
	v3 =	vld [tilespmem:s7+$0x7A70]  }
0x86: {  	v8 =	vld [tilespmem:s10+$0x5200];
	[tilespmem:s7+$0x5240] =	vst v7;
	v7 =	vsub.f32 v1, v4  }
0x87: {  	v9 =	vld [tilespmem:s10+$0x7A00];
	[tilespmem:s7+$0x7A40] =	vst v0;
	v0 =	vsub.f32 v4, v1  }
0x88: {  	v1 =	vld [tilespmem:s10+$0x5210];
	[tilespmem:s7+$0x5250] =	vst v7;
	v4 =	vsub.f32 v2, v5  }
0x89: {  	v7 =	vld [tilespmem:s10+$0x7A10];
	[tilespmem:s7+$0x7A50] =	vst v0;
	v0 =	vsub.f32 v5, v2  }
0x8a: {  	v2 =	vld [tilespmem:s10+$0x5220];
	[tilespmem:s7+$0x5260] =	vst v4;
	v4 =	vsub.f32 v6, v3;
	v3 =	vsub.f32 v3, v6  }
0x8b: {  	v5 =	vld [tilespmem:s10+$0x7A20];
	[tilespmem:s7+$0x7A60] =	vst v0  }
0x8c: {  	v0 =	vsub.f32 v8, v9;
	v6 =	vld [tilespmem:s10+$0x5230];
	[tilespmem:s7+$0x7A70] =	vst v3  }
0x8d: {  	v3 =	vsub.f32 v9, v8;
	v8 =	vld [tilespmem:s10+$0x7A30];
	[tilespmem:s7+$0x5270] =	vst v4;
	s7 =	smov.u32 s10  }
0x8e: {  	[tilespmem:s7+$0x5200] =	vst v0;
	v4 =	vsub.f32 v1, v7;
	v0 =	vld [tilespmem:s7+$0x5240]  }
0x8f: {  	v7 =	vsub.f32 v7, v1;
	[tilespmem:s7+$0x7A00] =	vst v3;
	v3 =	vld [tilespmem:s7+$0x7A40]  }
.Ltmp3:
0x90: {  	[tilespmem:s7+$0x5210] =	vst v4;
	v9 =	vsub.f32 v2, v5;
	v1 =	vld [tilespmem:s7+$0x5250];
	(pc) =	sbr.rel @p0 .LBB2_5-.Ltmp3, $4  }
0x91: {  	v5 =	vsub.f32 v5, v2;
	[tilespmem:s7+$0x7A10] =	vst v7;
	v4 =	vld [tilespmem:s7+$0x7A50]  }
0x92: {  	[tilespmem:s7+$0x5220] =	vst v9;
	v7 =	vsub.f32 v6, v8;
	v2 =	vld [tilespmem:s7+$0x5260]  }
0x93: {  	v8 =	vsub.f32 v8, v6;
	[tilespmem:s7+$0x7A20] =	vst v5;
	v5 =	vld [tilespmem:s7+$0x7A60]  }
0x94: {  	s9 =	sadd.s32 $0x200, s9;
	[tilespmem:s7+$0x5230] =	vst v7;
	v7 =	vsub.f32 v0, v3;
	v6 =	vld [tilespmem:s7+$0x5270]  }
0x95: {  	[tilespmem:s7+$0x7A30] =	vst v8;
	v0 =	vsub.f32 v3, v0;
	v57 =	vld [tilespmem:s7+$0x7A70]  }
0x96: {  	[tilespmem:s7+$0x5240] =	vst v7;
	v58 =	vsub.f32 v1, v4  }
0x97: {  	v59 =	vsub.f32 v4, v1;
	[tilespmem:s7+$0x7A40] =	vst v0  }
0x98: {  	[tilespmem:s7+$0x5250] =	vst v58;
	v60 =	vsub.f32 v2, v5  }
0x99: {  	[tilespmem:s7+$0x7A50] =	vst v59;
	v61 =	vsub.f32 v5, v2  }
0x9a: {  	[tilespmem:s7+$0x5260] =	vst v60;
	v62 =	vsub.f32 v57, v6  }
0x9b: {  	v63 =	vsub.f32 v6, v57;
	[tilespmem:s7+$0x7A60] =	vst v61  }
0x9c: {  	[tilespmem:s7+$0x7A70] =	vst v62  }
0x9d: {  	[tilespmem:s7+$0x5270] =	vst v63  }
0x9e: {  	[spmem:s2] =	stream.indirect.scatter.add.f32 [tilespmem:s25], [sflag:$0x4], $0x80, s23, s20, $0xb8;
	[tilespmem:$0x1E200] =	vst v63  }
0x9f: {  	_ = 	snop  }
0xa0: {  	[spmem:s2] =	stream.indirect.scatter.add.f32 [tilespmem:s26], [sflag:$0x4], $0x80, s24, s20, $0xb8;
	[tilespmem:$0x1E200] =	vst v63  }
0xa1: {  	p0 =	seq.s32 s3, $0x3E;
	_ =	swait.ge [sflag:s30], $0x2800  }
.Ltmp4:
0xa2: {  	[sflag:s30] =	ssyncset.done $0x0;
	(pc) =	sbr.rel @p0 .LBB2_8-.Ltmp4, $4  }
0xa3: {  	[sflag:s30] =	ssyncadd.s32 $0xFFFFD800  }
0xa4: {  	_ =	swait.ge [sflag:s30], $0x2800  }
0xa5: {  	[sflag:s30] =	ssyncset.done $0x0  }
0xa6: {  	[sflag:s30] =	ssyncadd.s32 $0xFFFFD800  }
0xa7: {  	s7 =	smul.u32 $0xA0, s3;
	_ =	sdelay $0x1  }
0xa8: {  	s9 =	sadd.s32 s7, s13  }
0xa9: {  	s9 =	sshrl.u32 s9, $0x3  }
0xaa: {  	s10 =	sadd.s32 s5, s9  }
0xab: {  	[tilespmem:s4], [sflag:$0x5] =	stream.linear.gather [hbm4b:s10+s4], $0x50, $0x38;
	[tilespmem:$0x1E200] =	vst v63  }
0xac: {  	_ =	swait.ge [sflag:s18], $0x50  }
0xad: {  	[sflag:s18] =	ssyncset.done $0x0  }
0xae: {  	s9 =	sadd.s32 s6, s9;
	[sflag:s18] =	ssyncadd.s32 $0xFFFFFFB0  }
0xaf: {  	[tilespmem:s19], [sflag:$0x5] =	stream.linear.gather [hbm4b:s9+s4], $0x50, $0x38;
	[tilespmem:$0x1E200] =	vst v63  }
0xb0: {  	_ =	swait.ge [sflag:s18], $0x50  }
0xb1: {  	[sflag:s18] =	ssyncset.done $0x0  }
0xb2: {  	[sflag:s18] =	ssyncadd.s32 $0xFFFFFFB0  }
0xb3: {  	[tilespmem:s21], [sflag:$0x1] =	stream.indirect.gather [hbm4b:s1+s20], $0x80, s4, s20, $0xb8;
	[tilespmem:$0x1E200] =	vst v63  }
0xb4: {  	_ = 	snop  }
0xb5: {  	[tilespmem:s22], [sflag:$0x1] =	stream.indirect.gather [hbm4b:s1+s20], $0x80, s19, s20, $0xb8;
	[tilespmem:$0x1E200] =	vst v63  }
0xb6: {  	_ =	swait.ge [sflag:s31], $0x2800  }
0xb7: {  	[sflag:s31] =	ssyncset.done $0x0  }
0xb8: {  	[sflag:s31] =	ssyncadd.s32 $0xFFFFD800  }
0xb9: {  	s7 =	sadd.s32 s7, s14;
	_ =	swait.ge [sflag:s31], $0x2800  }
0xba: {  	s7 =	sshrl.u32 s7, $0x3;
	[sflag:s31] =	ssyncset.done $0x0  }
0xbb: {  	s10 =	sadd.s32 s5, s7;
	[sflag:s31] =	ssyncadd.s32 $0xFFFFD800  }
0xbc: {  	[tilespmem:s23], [sflag:$0x5] =	stream.linear.gather [hbm4b:s10+s4], $0x50, $0x38;
	[tilespmem:$0x1E200] =	vst v63  }
0xbd: {  	_ =	swait.ge [sflag:s18], $0x50  }
0xbe: {  	[sflag:s18] =	ssyncset.done $0x0  }
0xbf: {  	s7 =	sadd.s32 s6, s7;
	[sflag:s18] =	ssyncadd.s32 $0xFFFFFFB0  }
0xc0: {  	[tilespmem:s24], [sflag:$0x5] =	stream.linear.gather [hbm4b:s7+s4], $0x50, $0x38;
	[tilespmem:$0x1E200] =	vst v63  }
0xc1: {  	_ =	swait.ge [sflag:s18], $0x50  }
.Ltmp5:
0xc2: {  	[sflag:s18] =	ssyncset.done $0x0;
	(pc) =	sbr.rel .LBB2_2-.Ltmp5, $4  }
0xc3: {  	[sflag:s18] =	ssyncadd.s32 $0xFFFFFFB0  }
0xc4: {  	[tilespmem:s25], [sflag:$0x2] =	stream.indirect.gather [hbm4b:s1+s20], $0x80, s23, s20, $0xb8;
	[tilespmem:$0x1E200] =	vst v63  }
0xc5: {  	s3 =	sadd.s32 $0x1, s3  }
0xc6: {  	[tilespmem:s26], [sflag:$0x2] =	stream.indirect.gather [hbm4b:s1+s20], $0x80, s24, s20, $0xb8;
	[tilespmem:$0x1E200] =	vst v63  }
.LBB2_9:
0xc7: {  	_ =	sfence.sel $0x180000  }
0xc8: {  	[bflag:$0x0] =	sbarrier.arrive $0xFFFF  }
0xc9: {  	_ =	strace $0x90000047  }
0xca: {  	s0 =	stileid.u32;
	[bflag:$0x2] =	sbarrier.arrive $0xFFFF  }
0xcb: {  	p0 =	sne.s32 s0, $0x0;
	s0 =	rddreg [dreg:$0x3]  }
0xcc: {  	s0 =	sadd.s32 @!p0 $0x100000, s0  }
0xcd: {  	[sflag:s0] =	ssyncadd.tile.s32 @!p0 $0x1;
	_ =	shalt  }
.Lfunc_end2:
_tile_overlayer_lowered:
.L_overlay_start_2:
0xce: {  	(tag) =	ssettag $0x2  }
0xcf: {  	s0 =	rddreg [dreg:$0x0];
	s2 =	stileid.u32  }
0xd0: {  	s1 =	rddreg [dreg:$0x1];
	p0 =	sne.s32 s2, $0x0  }
0xd1: {  	s3 =	rddreg [dreg:$0x2];
	[bflag:$0x3] =	sbarrier.arrive $0xFFFF;
	s2 =	simm.s32 @!p0 $0x1C05  }
0xd2: {  	[timem:s3], [sflag:s2] =	dma.local @!p0 [hbm:s0], s1  }
0xd3: {  	s0 =	simm.s32 @!p0 $0x5  }
0xd4: {  	_ =	swait.ge @!p0 [sflag:s0], s1  }
0xd5: {  	s1 =	ssub.s32 @!p0 $0x0, s1;
	[sflag:s0] =	ssyncset.done @!p0 $0x0  }
0xd6: {  	[sflag:s0] =	ssyncadd.s32 @!p0 s1  }
0xd7: {  	[bflag:$0x3] =	sbarrier.arrive $0xFFFF  }
0xd8: {  	_ =	shalt  }

</sc_bundles>
